<compile_context>
chip_gen: v7x
topology: tpu7x:2x2x1
jax: 0.10.2.dev20260603
libtpu: 0.0.44.dev20260713+nightly
codegen_flags: <defaults>
</compile_context>

<pallas_src>
import functools
import math

import jax
import jax.numpy as jnp
from jax import lax
from jax.experimental import pallas as pl
from jax.experimental.pallas import tpu as pltpu
from jax.experimental.pallas import tpu_sc as plsc

EMBED_DIM = 64
_SCALE = math.sqrt(EMBED_DIM)

_INFO = plsc.get_sparse_core_info()
_NC = _INFO.num_cores
_NS = _INFO.num_subcores
_NW = _NC * _NS
_GRP = 128
_NB = 8
_LOOK = 4


def _make_kernel(n_tokens: int):
    assert n_tokens % (_NW * _GRP) == 0
    per_w = n_tokens // _NW
    n_grp = per_w // _GRP
    assert n_grp % _NB == 0 and n_grp > _NB

    mesh = plsc.VectorSubcoreMesh(core_axis_name="c", subcore_axis_name="s")

    @functools.partial(
        pl.kernel,
        mesh=mesh,
        compiler_params=pltpu.CompilerParams(use_tc_tiling_on_sc=False),
        out_type=jax.ShapeDtypeStruct((n_tokens, 2 * EMBED_DIM), jnp.float32),
        scratch_types=(
            [pltpu.VMEM((per_w,), jnp.int32)]
            + [pltpu.VMEM((_GRP, EMBED_DIM), jnp.float32)] * _NB
            + [pltpu.SemaphoreType.DMA] * (2 * _NB)
        ),
    )
    def k(tok_hbm, tab_hbm, out_hbm, idx_v, *scratch):
        rbufs = scratch[:_NB]
        gsems = scratch[_NB:2 * _NB]
        ssems = scratch[2 * _NB:]
        wid = lax.axis_index("s") * _NC + lax.axis_index("c")
        pltpu.sync_copy(tok_hbm.at[wid], idx_v)

        def fire_gather(j, b):
            pltpu.async_copy(
                tab_hbm.at[idx_v.at[pl.ds(j * _GRP, _GRP)]], rbufs[b],
                gsems[b])

        def wait_gather(b):
            pltpu.make_async_copy(
                tab_hbm.at[pl.ds(0, _GRP)], rbufs[b], gsems[b]).wait()

        def fire_scatter(j, b):
            pltpu.async_copy(
                rbufs[b],
                out_hbm.at[pl.ds(wid * per_w + j * _GRP, _GRP),
                           pl.ds(0, EMBED_DIM)],
                ssems[b])

        def wait_scatter(b):
            pltpu.make_async_copy(
                rbufs[b],
                out_hbm.at[pl.ds(0, _GRP), pl.ds(0, EMBED_DIM)],
                ssems[b]).wait()

        def scale(buf):
            def row(r, _):
                for u in range(2):
                    for v in range(EMBED_DIM // 16):
                        sl = pl.ds(v * 16, 16)
                        buf[r * 2 + u, sl] = buf[r * 2 + u, sl] * _SCALE
                return 0
            lax.fori_loop(0, _GRP // 2, row, 0)

        for j in range(_LOOK):
            fire_gather(j, j % _NB)

        def outer(t, _):
            for b in range(_NB):
                j = t * _NB + b
                wait_gather(b)
                scale(rbufs[b])
                fire_scatter(j, b)
                b2 = (b + _LOOK) % _NB

                @pl.when(j >= _NB - _LOOK)
                def _():
                    wait_scatter(b2)

                @pl.when(j + _LOOK < n_grp)
                def _():
                    fire_gather(j + _LOOK, b2)
            return 0

        lax.fori_loop(0, n_grp // _NB, outer, 0)

        for j in range(n_grp - _NB + _LOOK, n_grp):
            wait_scatter(j % _NB)

    return k


def kernel(tokens, embedding_weight):
    b, t = tokens.shape
    n_tokens = b * t
    idx = tokens.reshape(_NW, n_tokens // _NW).astype(jnp.int32)
    out = _make_kernel(n_tokens)(idx, embedding_weight)
    return out[:, :EMBED_DIM].reshape(b, t, EMBED_DIM)

# --- scband reference (transcript-rebuilt; emitter-appended) ---
"""Pipeline reference for scband-token-embedding-13237089206916 (READ-ONLY COPY).

The authoritative reference and input builder live on the scoring server;
editing this copy changes nothing except your own understanding.
"""

import jax, jax.numpy as jnp
import numpy as np
import math

CHARSET_SIZE = 1000000
EMBED_DIM = 64

def setup_inputs(seed: int = 0) -> dict:
    key = jax.random.key(seed)
    k_tok, k_emb = jax.random.split(key)
    tokens = jax.random.randint(k_tok, (4096, 200), 0, CHARSET_SIZE, dtype=jnp.int64 if jax.config.jax_enable_x64 else jnp.int32)
    embedding_weight = jax.random.normal(k_emb, (CHARSET_SIZE, EMBED_DIM), dtype=jnp.float32)
    return {"tokens": tokens, "embedding_weight": embedding_weight}

def reference(tokens, embedding_weight):
    # Faithful translation of TokenEmbedding.forward:
    # math.sqrt(embed_dim) * nn.Embedding(tokens)
    emb = jnp.take(embedding_weight, tokens, axis=0)
    return math.sqrt(EMBED_DIM) * emb

if __name__ == "__main__":
    import jax
    _d = setup_inputs()
    print(jax.jit(kernel)(*tuple(_d.values())))

</pallas_src>

<mosaic_0001>
#map = affine_map<(d0, d1) -> (0, 0)>
module attributes {stable_mosaic.version = 14 : i64} {
  func.func @k(%arg0: i32, %arg1: i32, %arg2: memref<32x25600xi32, #tpu.memory_space<hbm>>, %arg3: memref<1000000x64xf32, #tpu.memory_space<hbm>>, %arg4: memref<819200x128xf32, #tpu.memory_space<hbm>>, %arg5: memref<25600xi32, #tpu.memory_space<vmem>>, %arg6: memref<128x64xf32, #tpu.memory_space<vmem>>, %arg7: memref<128x64xf32, #tpu.memory_space<vmem>>, %arg8: memref<128x64xf32, #tpu.memory_space<vmem>>, %arg9: memref<128x64xf32, #tpu.memory_space<vmem>>, %arg10: memref<128x64xf32, #tpu.memory_space<vmem>>, %arg11: memref<128x64xf32, #tpu.memory_space<vmem>>, %arg12: memref<128x64xf32, #tpu.memory_space<vmem>>, %arg13: memref<128x64xf32, #tpu.memory_space<vmem>>, %arg14: memref<!tpu.dma_semaphore, #tpu.memory_space<semaphore_mem>>, %arg15: memref<!tpu.dma_semaphore, #tpu.memory_space<semaphore_mem>>, %arg16: memref<!tpu.dma_semaphore, #tpu.memory_space<semaphore_mem>>, %arg17: memref<!tpu.dma_semaphore, #tpu.memory_space<semaphore_mem>>, %arg18: memref<!tpu.dma_semaphore, #tpu.memory_space<semaphore_mem>>, %arg19: memref<!tpu.dma_semaphore, #tpu.memory_space<semaphore_mem>>, %arg20: memref<!tpu.dma_semaphore, #tpu.memory_space<semaphore_mem>>, %arg21: memref<!tpu.dma_semaphore, #tpu.memory_space<semaphore_mem>>, %arg22: memref<!tpu.dma_semaphore, #tpu.memory_space<semaphore_mem>>, %arg23: memref<!tpu.dma_semaphore, #tpu.memory_space<semaphore_mem>>, %arg24: memref<!tpu.dma_semaphore, #tpu.memory_space<semaphore_mem>>, %arg25: memref<!tpu.dma_semaphore, #tpu.memory_space<semaphore_mem>>, %arg26: memref<!tpu.dma_semaphore, #tpu.memory_space<semaphore_mem>>, %arg27: memref<!tpu.dma_semaphore, #tpu.memory_space<semaphore_mem>>, %arg28: memref<!tpu.dma_semaphore, #tpu.memory_space<semaphore_mem>>, %arg29: memref<!tpu.dma_semaphore, #tpu.memory_space<semaphore_mem>>) attributes {dimension_semantics = [#tpu.dimension_semantics<core_parallel>, #tpu.dimension_semantics<subcore_parallel>], iteration_bounds = array<i64: 2, 16>, scalar_prefetch = 0 : i64, scratch_operands = 25 : i64, tpu.core_type = #tpu.core_type<sc_vector_subcore>, window_params = [{transform_indices = #map}, {transform_indices = #map}, {transform_indices = #map}]} {
    %mul3A = arith.constant 2 : i32
    %mul3A_0 = arith.muli %arg1, %mul3A : i32
    %add3A = arith.addi %mul3A_0, %arg0 : i32
    "tpu.region"() ({
      %run_scoped3A = tpu.sem_alloc : memref<!tpu.dma_semaphore, #tpu.memory_space<semaphore_mem>>
      %dma_start3A_49 = arith.constant 0 : i32
      %dma_start3A_50 = tpu.memref_slice %arg2[%add3A, %dma_start3A_49] : memref<32x25600xi32, #tpu.memory_space<hbm>> -> memref<1x25600xi32, #tpu.memory_space<hbm>>
      %dma_start3A_51 = tpu.memref_squeeze %dma_start3A_50 : memref<1x25600xi32, #tpu.memory_space<hbm>> -> memref<25600xi32, #tpu.memory_space<hbm>>
      %dma_start3A_52 = arith.constant 0 : i32
      %dma_start3A_53 = tpu.memref_slice %arg2[%add3A, %dma_start3A_52] : memref<32x25600xi32, #tpu.memory_space<hbm>> -> memref<1x25600xi32, #tpu.memory_space<hbm>>
      %dma_start3A_54 = tpu.memref_squeeze %dma_start3A_53 : memref<1x25600xi32, #tpu.memory_space<hbm>> -> memref<25600xi32, #tpu.memory_space<hbm>>
      tpu.enqueue_dma source(%dma_start3A_54 : memref<25600xi32, #tpu.memory_space<hbm>>) target(%arg5 : memref<25600xi32, #tpu.memory_space<vmem>>) target_semaphore(%run_scoped3A : memref<!tpu.dma_semaphore, #tpu.memory_space<semaphore_mem>>)
      %dma_wait3A_55 = arith.constant 0 : i32
      %dma_wait3A_56 = tpu.memref_slice %arg2[%add3A, %dma_wait3A_55] : memref<32x25600xi32, #tpu.memory_space<hbm>> -> memref<1x25600xi32, #tpu.memory_space<hbm>>
      %dma_wait3A_57 = tpu.memref_squeeze %dma_wait3A_56 : memref<1x25600xi32, #tpu.memory_space<hbm>> -> memref<25600xi32, #tpu.memory_space<hbm>>
      %dma_wait3A_58 = arith.constant 0 : i32
      %dma_wait3A_59 = tpu.memref_slice %arg2[%add3A, %dma_wait3A_58] : memref<32x25600xi32, #tpu.memory_space<hbm>> -> memref<1x25600xi32, #tpu.memory_space<hbm>>
      %dma_wait3A_60 = tpu.memref_squeeze %dma_wait3A_59 : memref<1x25600xi32, #tpu.memory_space<hbm>> -> memref<25600xi32, #tpu.memory_space<hbm>>
      tpu.wait_dma2 semaphore(%run_scoped3A : memref<!tpu.dma_semaphore, #tpu.memory_space<semaphore_mem>>) src(%dma_wait3A_60 : memref<25600xi32, #tpu.memory_space<hbm>>) dst(%arg5 : memref<25600xi32, #tpu.memory_space<vmem>>)
      tpu.yield
    }) : () -> ()
    %dma_start3A = arith.constant 0 : i32
    %dma_start3A_1 = tpu.memref_slice %arg5[%dma_start3A] : memref<25600xi32, #tpu.memory_space<vmem>> -> memref<128xi32, #tpu.memory_space<vmem>>
    %dma_start3A_2 = arith.constant 0 : i32
    %dma_start3A_3 = arith.constant 0 : i32
    %dma_start3A_4 = tpu.memref_slice %arg3[%dma_start3A_2, %dma_start3A_3] : memref<1000000x64xf32, #tpu.memory_space<hbm>> -> memref<1000000x64xf32, #tpu.memory_space<hbm>>
    tpu.enqueue_indirect_dma source(%dma_start3A_4 : memref<1000000x64xf32, #tpu.memory_space<hbm>>) target(%arg6 : memref<128x64xf32, #tpu.memory_space<vmem>>) offsets(%dma_start3A_1 : memref<128xi32, #tpu.memory_space<vmem>>) semaphore(%arg14 : memref<!tpu.dma_semaphore, #tpu.memory_space<semaphore_mem>>)
    %dma_start3A_5 = arith.constant 128 : i32
    %dma_start3A_6 = tpu.memref_slice %arg5[%dma_start3A_5] : memref<25600xi32, #tpu.memory_space<vmem>> -> memref<128xi32, #tpu.memory_space<vmem>>
    %dma_start3A_7 = arith.constant 0 : i32
    %dma_start3A_8 = arith.constant 0 : i32
    %dma_start3A_9 = tpu.memref_slice %arg3[%dma_start3A_7, %dma_start3A_8] : memref<1000000x64xf32, #tpu.memory_space<hbm>> -> memref<1000000x64xf32, #tpu.memory_space<hbm>>
    tpu.enqueue_indirect_dma source(%dma_start3A_9 : memref<1000000x64xf32, #tpu.memory_space<hbm>>) target(%arg7 : memref<128x64xf32, #tpu.memory_space<vmem>>) offsets(%dma_start3A_6 : memref<128xi32, #tpu.memory_space<vmem>>) semaphore(%arg15 : memref<!tpu.dma_semaphore, #tpu.memory_space<semaphore_mem>>)
    %dma_start3A_10 = arith.constant 256 : i32
    %dma_start3A_11 = tpu.memref_slice %arg5[%dma_start3A_10] : memref<25600xi32, #tpu.memory_space<vmem>> -> memref<128xi32, #tpu.memory_space<vmem>>
    %dma_start3A_12 = arith.constant 0 : i32
    %dma_start3A_13 = arith.constant 0 : i32
    %dma_start3A_14 = tpu.memref_slice %arg3[%dma_start3A_12, %dma_start3A_13] : memref<1000000x64xf32, #tpu.memory_space<hbm>> -> memref<1000000x64xf32, #tpu.memory_space<hbm>>
    tpu.enqueue_indirect_dma source(%dma_start3A_14 : memref<1000000x64xf32, #tpu.memory_space<hbm>>) target(%arg8 : memref<128x64xf32, #tpu.memory_space<vmem>>) offsets(%dma_start3A_11 : memref<128xi32, #tpu.memory_space<vmem>>) semaphore(%arg16 : memref<!tpu.dma_semaphore, #tpu.memory_space<semaphore_mem>>)
    %dma_start3A_15 = arith.constant 384 : i32
    %dma_start3A_16 = tpu.memref_slice %arg5[%dma_start3A_15] : memref<25600xi32, #tpu.memory_space<vmem>> -> memref<128xi32, #tpu.memory_space<vmem>>
    %dma_start3A_17 = arith.constant 0 : i32
    %dma_start3A_18 = arith.constant 0 : i32
    %dma_start3A_19 = tpu.memref_slice %arg3[%dma_start3A_17, %dma_start3A_18] : memref<1000000x64xf32, #tpu.memory_space<hbm>> -> memref<1000000x64xf32, #tpu.memory_space<hbm>>
    tpu.enqueue_indirect_dma source(%dma_start3A_19 : memref<1000000x64xf32, #tpu.memory_space<hbm>>) target(%arg9 : memref<128x64xf32, #tpu.memory_space<vmem>>) offsets(%dma_start3A_16 : memref<128xi32, #tpu.memory_space<vmem>>) semaphore(%arg17 : memref<!tpu.dma_semaphore, #tpu.memory_space<semaphore_mem>>)
    %scan3A = arith.constant 0 : i32
    %scan3A_20 = arith.constant 0 : i32
    %scan3A_21 = arith.constant 25 : i32
    %scan3A_22 = arith.addi %scan3A_20, %scan3A_21 : i32
    %scan3A_23 = arith.constant 1 : i32
    %scan3A_24 = scf.for %scan3A_49 = %scan3A_20 to %scan3A_22 step %scan3A_23 iter_args(%scan3A_50 = %scan3A) -> (i32)  : i32 {
      %mul3A_51 = arith.constant 8 : i32
      %mul3A_52 = arith.muli %scan3A_49, %mul3A_51 : i32
      %add3A_53 = arith.constant 0 : i32
      %add3A_54 = arith.addi %mul3A_52, %add3A_53 : i32
      %dma_wait3A_55 = arith.constant 0 : i32
      %dma_wait3A_56 = arith.constant 0 : i32
      %dma_wait3A_57 = tpu.memref_slice %arg3[%dma_wait3A_55, %dma_wait3A_56] : memref<1000000x64xf32, #tpu.memory_space<hbm>> -> memref<128x64xf32, #tpu.memory_space<hbm>>
      %dma_wait3A_58 = arith.constant 0 : i32
      %dma_wait3A_59 = arith.constant 0 : i32
      %dma_wait3A_60 = tpu.memref_slice %arg3[%dma_wait3A_58, %dma_wait3A_59] : memref<1000000x64xf32, #tpu.memory_space<hbm>> -> memref<128x64xf32, #tpu.memory_space<hbm>>
      tpu.wait_dma2 semaphore(%arg14 : memref<!tpu.dma_semaphore, #tpu.memory_space<semaphore_mem>>) src(%dma_wait3A_60 : memref<128x64xf32, #tpu.memory_space<hbm>>) dst(%arg6 : memref<128x64xf32, #tpu.memory_space<vmem>>)
      %scan3A_61 = arith.constant 0 : i32
      %scan3A_62 = arith.constant 0 : i32
      %scan3A_63 = arith.constant 64 : i32
      %scan3A_64 = arith.addi %scan3A_62, %scan3A_63 : i32
      %scan3A_65 = arith.constant 1 : i32
      %scan3A_66 = scf.for %scan3A_352 = %scan3A_62 to %scan3A_64 step %scan3A_65 iter_args(%scan3A_353 = %scan3A_61) -> (i32)  : i32 {
        %mul3A_354 = arith.constant 2 : i32
        %mul3A_355 = arith.muli %scan3A_352, %mul3A_354 : i32
        %add3A_356 = arith.constant 0 : i32
        %add3A_357 = arith.addi %mul3A_355, %add3A_356 : i32
        %get3A = arith.index_cast %add3A_357 : i32 to index
        %get3A_358 = arith.constant 0 : index
        %get3A_359 = tpu.vector_load %arg6[%get3A, %get3A_358] {strides = array<i32>} : memref<128x64xf32, #tpu.memory_space<vmem>>, vector<1x16xf32>,
        %get3A_360 = vector.shape_cast %get3A_359 : vector<1x16xf32> to vector<16xf32>
        %mul3A_361 = arith.constant 8.000000e+00 : f32
        %mul3A_362 = vector.broadcast %mul3A_361 : f32 to vector<16xf32>
        %mul3A_363 = arith.mulf %get3A_360, %mul3A_362 : vector<16xf32>
        %mul3A_364 = arith.constant 2 : i32
        %mul3A_365 = arith.muli %scan3A_352, %mul3A_364 : i32
        %add3A_366 = arith.constant 0 : i32
        %add3A_367 = arith.addi %mul3A_365, %add3A_366 : i32
        %swap3A = arith.index_cast %add3A_367 : i32 to index
        %swap3A_368 = arith.constant 0 : index
        %swap3A_369 = tpu.vector_load %arg6[%swap3A, %swap3A_368] {strides = array<i32>} : memref<128x64xf32, #tpu.memory_space<vmem>>, vector<1x16xf32>,
        %swap3A_370 = vector.shape_cast %swap3A_369 : vector<1x16xf32> to vector<16xf32>
        %swap3A_371 = vector.shape_cast %mul3A_363 : vector<16xf32> to vector<1x16xf32>
        tpu.vector_store %arg6[%swap3A, %swap3A_368], %swap3A_371 {strides = array<i32>} : memref<128x64xf32, #tpu.memory_space<vmem>>, vector<1x16xf32>,
        %mul3A_372 = arith.constant 2 : i32
        %mul3A_373 = arith.muli %scan3A_352, %mul3A_372 : i32
        %add3A_374 = arith.constant 0 : i32
        %add3A_375 = arith.addi %mul3A_373, %add3A_374 : i32
        %get3A_376 = arith.index_cast %add3A_375 : i32 to index
        %get3A_377 = arith.constant 16 : index
        %get3A_378 = tpu.vector_load %arg6[%get3A_376, %get3A_377] {strides = array<i32>} : memref<128x64xf32, #tpu.memory_space<vmem>>, vector<1x16xf32>,
        %get3A_379 = vector.shape_cast %get3A_378 : vector<1x16xf32> to vector<16xf32>
        %mul3A_380 = arith.constant 8.000000e+00 : f32
        %mul3A_381 = vector.broadcast %mul3A_380 : f32 to vector<16xf32>
        %mul3A_382 = arith.mulf %get3A_379, %mul3A_381 : vector<16xf32>
        %mul3A_383 = arith.constant 2 : i32
        %mul3A_384 = arith.muli %scan3A_352, %mul3A_383 : i32
        %add3A_385 = arith.constant 0 : i32
        %add3A_386 = arith.addi %mul3A_384, %add3A_385 : i32
        %swap3A_387 = arith.index_cast %add3A_386 : i32 to index
        %swap3A_388 = arith.constant 16 : index
        %swap3A_389 = tpu.vector_load %arg6[%swap3A_387, %swap3A_388] {strides = array<i32>} : memref<128x64xf32, #tpu.memory_space<vmem>>, vector<1x16xf32>,
        %swap3A_390 = vector.shape_cast %swap3A_389 : vector<1x16xf32> to vector<16xf32>
        %swap3A_391 = vector.shape_cast %mul3A_382 : vector<16xf32> to vector<1x16xf32>
        tpu.vector_store %arg6[%swap3A_387, %swap3A_388], %swap3A_391 {strides = array<i32>} : memref<128x64xf32, #tpu.memory_space<vmem>>, vector<1x16xf32>,
        %mul3A_392 = arith.constant 2 : i32
        %mul3A_393 = arith.muli %scan3A_352, %mul3A_392 : i32
        %add3A_394 = arith.constant 0 : i32
        %add3A_395 = arith.addi %mul3A_393, %add3A_394 : i32
        %get3A_396 = arith.index_cast %add3A_395 : i32 to index
        %get3A_397 = arith.constant 32 : index
        %get3A_398 = tpu.vector_load %arg6[%get3A_396, %get3A_397] {strides = array<i32>} : memref<128x64xf32, #tpu.memory_space<vmem>>, vector<1x16xf32>,
        %get3A_399 = vector.shape_cast %get3A_398 : vector<1x16xf32> to vector<16xf32>
        %mul3A_400 = arith.constant 8.000000e+00 : f32
        %mul3A_401 = vector.broadcast %mul3A_400 : f32 to vector<16xf32>
        %mul3A_402 = arith.mulf %get3A_399, %mul3A_401 : vector<16xf32>
        %mul3A_403 = arith.constant 2 : i32
        %mul3A_404 = arith.muli %scan3A_352, %mul3A_403 : i32
        %add3A_405 = arith.constant 0 : i32
        %add3A_406 = arith.addi %mul3A_404, %add3A_405 : i32
        %swap3A_407 = arith.index_cast %add3A_406 : i32 to index
        %swap3A_408 = arith.constant 32 : index
        %swap3A_409 = tpu.vector_load %arg6[%swap3A_407, %swap3A_408] {strides = array<i32>} : memref<128x64xf32, #tpu.memory_space<vmem>>, vector<1x16xf32>,
        %swap3A_410 = vector.shape_cast %swap3A_409 : vector<1x16xf32> to vector<16xf32>
        %swap3A_411 = vector.shape_cast %mul3A_402 : vector<16xf32> to vector<1x16xf32>
        tpu.vector_store %arg6[%swap3A_407, %swap3A_408], %swap3A_411 {strides = array<i32>} : memref<128x64xf32, #tpu.memory_space<vmem>>, vector<1x16xf32>,
        %mul3A_412 = arith.constant 2 : i32
        %mul3A_413 = arith.muli %scan3A_352, %mul3A_412 : i32
        %add3A_414 = arith.constant 0 : i32
        %add3A_415 = arith.addi %mul3A_413, %add3A_414 : i32
        %get3A_416 = arith.index_cast %add3A_415 : i32 to index
        %get3A_417 = arith.constant 48 : index
        %get3A_418 = tpu.vector_load %arg6[%get3A_416, %get3A_417] {strides = array<i32>} : memref<128x64xf32, #tpu.memory_space<vmem>>, vector<1x16xf32>,
        %get3A_419 = vector.shape_cast %get3A_418 : vector<1x16xf32> to vector<16xf32>
        %mul3A_420 = arith.constant 8.000000e+00 : f32
        %mul3A_421 = vector.broadcast %mul3A_420 : f32 to vector<16xf32>
        %mul3A_422 = arith.mulf %get3A_419, %mul3A_421 : vector<16xf32>
        %mul3A_423 = arith.constant 2 : i32
        %mul3A_424 = arith.muli %scan3A_352, %mul3A_423 : i32
        %add3A_425 = arith.constant 0 : i32
        %add3A_426 = arith.addi %mul3A_424, %add3A_425 : i32
        %swap3A_427 = arith.index_cast %add3A_426 : i32 to index
        %swap3A_428 = arith.constant 48 : index
        %swap3A_429 = tpu.vector_load %arg6[%swap3A_427, %swap3A_428] {strides = array<i32>} : memref<128x64xf32, #tpu.memory_space<vmem>>, vector<1x16xf32>,
        %swap3A_430 = vector.shape_cast %swap3A_429 : vector<1x16xf32> to vector<16xf32>
        %swap3A_431 = vector.shape_cast %mul3A_422 : vector<16xf32> to vector<1x16xf32>
        tpu.vector_store %arg6[%swap3A_427, %swap3A_428], %swap3A_431 {strides = array<i32>} : memref<128x64xf32, #tpu.memory_space<vmem>>, vector<1x16xf32>,
        %mul3A_432 = arith.constant 2 : i32
        %mul3A_433 = arith.muli %scan3A_352, %mul3A_432 : i32
        %add3A_434 = arith.constant 1 : i32
        %add3A_435 = arith.addi %mul3A_433, %add3A_434 : i32
        %get3A_436 = arith.index_cast %add3A_435 : i32 to index
        %get3A_437 = arith.constant 0 : index
        %get3A_438 = tpu.vector_load %arg6[%get3A_436, %get3A_437] {strides = array<i32>} : memref<128x64xf32, #tpu.memory_space<vmem>>, vector<1x16xf32>,
        %get3A_439 = vector.shape_cast %get3A_438 : vector<1x16xf32> to vector<16xf32>
        %mul3A_440 = arith.constant 8.000000e+00 : f32
        %mul3A_441 = vector.broadcast %mul3A_440 : f32 to vector<16xf32>
        %mul3A_442 = arith.mulf %get3A_439, %mul3A_441 : vector<16xf32>
        %mul3A_443 = arith.constant 2 : i32
        %mul3A_444 = arith.muli %scan3A_352, %mul3A_443 : i32
        %add3A_445 = arith.constant 1 : i32
        %add3A_446 = arith.addi %mul3A_444, %add3A_445 : i32
        %swap3A_447 = arith.index_cast %add3A_446 : i32 to index
        %swap3A_448 = arith.constant 0 : index
        %swap3A_449 = tpu.vector_load %arg6[%swap3A_447, %swap3A_448] {strides = array<i32>} : memref<128x64xf32, #tpu.memory_space<vmem>>, vector<1x16xf32>,
        %swap3A_450 = vector.shape_cast %swap3A_449 : vector<1x16xf32> to vector<16xf32>
        %swap3A_451 = vector.shape_cast %mul3A_442 : vector<16xf32> to vector<1x16xf32>
        tpu.vector_store %arg6[%swap3A_447, %swap3A_448], %swap3A_451 {strides = array<i32>} : memref<128x64xf32, #tpu.memory_space<vmem>>, vector<1x16xf32>,
        %mul3A_452 = arith.constant 2 : i32
        %mul3A_453 = arith.muli %scan3A_352, %mul3A_452 : i32
        %add3A_454 = arith.constant 1 : i32
        %add3A_455 = arith.addi %mul3A_453, %add3A_454 : i32
        %get3A_456 = arith.index_cast %add3A_455 : i32 to index
        %get3A_457 = arith.constant 16 : index
        %get3A_458 = tpu.vector_load %arg6[%get3A_456, %get3A_457] {strides = array<i32>} : memref<128x64xf32, #tpu.memory_space<vmem>>, vector<1x16xf32>,
        %get3A_459 = vector.shape_cast %get3A_458 : vector<1x16xf32> to vector<16xf32>
        %mul3A_460 = arith.constant 8.000000e+00 : f32
        %mul3A_461 = vector.broadcast %mul3A_460 : f32 to vector<16xf32>
        %mul3A_462 = arith.mulf %get3A_459, %mul3A_461 : vector<16xf32>
        %mul3A_463 = arith.constant 2 : i32
        %mul3A_464 = arith.muli %scan3A_352, %mul3A_463 : i32
        %add3A_465 = arith.constant 1 : i32
        %add3A_466 = arith.addi %mul3A_464, %add3A_465 : i32
        %swap3A_467 = arith.index_cast %add3A_466 : i32 to index
        %swap3A_468 = arith.constant 16 : index
        %swap3A_469 = tpu.vector_load %arg6[%swap3A_467, %swap3A_468] {strides = array<i32>} : memref<128x64xf32, #tpu.memory_space<vmem>>, vector<1x16xf32>,
        %swap3A_470 = vector.shape_cast %swap3A_469 : vector<1x16xf32> to vector<16xf32>
        %swap3A_471 = vector.shape_cast %mul3A_462 : vector<16xf32> to vector<1x16xf32>
        tpu.vector_store %arg6[%swap3A_467, %swap3A_468], %swap3A_471 {strides = array<i32>} : memref<128x64xf32, #tpu.memory_space<vmem>>, vector<1x16xf32>,
        %mul3A_472 = arith.constant 2 : i32
        %mul3A_473 = arith.muli %scan3A_352, %mul3A_472 : i32
        %add3A_474 = arith.constant 1 : i32
        %add3A_475 = arith.addi %mul3A_473, %add3A_474 : i32
        %get3A_476 = arith.index_cast %add3A_475 : i32 to index
        %get3A_477 = arith.constant 32 : index
        %get3A_478 = tpu.vector_load %arg6[%get3A_476, %get3A_477] {strides = array<i32>} : memref<128x64xf32, #tpu.memory_space<vmem>>, vector<1x16xf32>,
        %get3A_479 = vector.shape_cast %get3A_478 : vector<1x16xf32> to vector<16xf32>
        %mul3A_480 = arith.constant 8.000000e+00 : f32
        %mul3A_481 = vector.broadcast %mul3A_480 : f32 to vector<16xf32>
        %mul3A_482 = arith.mulf %get3A_479, %mul3A_481 : vector<16xf32>
        %mul3A_483 = arith.constant 2 : i32
        %mul3A_484 = arith.muli %scan3A_352, %mul3A_483 : i32
        %add3A_485 = arith.constant 1 : i32
        %add3A_486 = arith.addi %mul3A_484, %add3A_485 : i32
        %swap3A_487 = arith.index_cast %add3A_486 : i32 to index
        %swap3A_488 = arith.constant 32 : index
        %swap3A_489 = tpu.vector_load %arg6[%swap3A_487, %swap3A_488] {strides = array<i32>} : memref<128x64xf32, #tpu.memory_space<vmem>>, vector<1x16xf32>,
        %swap3A_490 = vector.shape_cast %swap3A_489 : vector<1x16xf32> to vector<16xf32>
        %swap3A_491 = vector.shape_cast %mul3A_482 : vector<16xf32> to vector<1x16xf32>
        tpu.vector_store %arg6[%swap3A_487, %swap3A_488], %swap3A_491 {strides = array<i32>} : memref<128x64xf32, #tpu.memory_space<vmem>>, vector<1x16xf32>,
        %mul3A_492 = arith.constant 2 : i32
        %mul3A_493 = arith.muli %scan3A_352, %mul3A_492 : i32
        %add3A_494 = arith.constant 1 : i32
        %add3A_495 = arith.addi %mul3A_493, %add3A_494 : i32
        %get3A_496 = arith.index_cast %add3A_495 : i32 to index
        %get3A_497 = arith.constant 48 : index
        %get3A_498 = tpu.vector_load %arg6[%get3A_496, %get3A_497] {strides = array<i32>} : memref<128x64xf32, #tpu.memory_space<vmem>>, vector<1x16xf32>,
        %get3A_499 = vector.shape_cast %get3A_498 : vector<1x16xf32> to vector<16xf32>
        %mul3A_500 = arith.constant 8.000000e+00 : f32
        %mul3A_501 = vector.broadcast %mul3A_500 : f32 to vector<16xf32>
        %mul3A_502 = arith.mulf %get3A_499, %mul3A_501 : vector<16xf32>
        %mul3A_503 = arith.constant 2 : i32
        %mul3A_504 = arith.muli %scan3A_352, %mul3A_503 : i32
        %add3A_505 = arith.constant 1 : i32
        %add3A_506 = arith.addi %mul3A_504, %add3A_505 : i32
        %swap3A_507 = arith.index_cast %add3A_506 : i32 to index
        %swap3A_508 = arith.constant 48 : index
        %swap3A_509 = tpu.vector_load %arg6[%swap3A_507, %swap3A_508] {strides = array<i32>} : memref<128x64xf32, #tpu.memory_space<vmem>>, vector<1x16xf32>,
        %swap3A_510 = vector.shape_cast %swap3A_509 : vector<1x16xf32> to vector<16xf32>
        %swap3A_511 = vector.shape_cast %mul3A_502 : vector<16xf32> to vector<1x16xf32>
        tpu.vector_store %arg6[%swap3A_507, %swap3A_508], %swap3A_511 {strides = array<i32>} : memref<128x64xf32, #tpu.memory_space<vmem>>, vector<1x16xf32>,
        %scan3A_512 = arith.constant 0 : i32
        scf.yield %scan3A_512 : i32
      }
      %scan3A_67 = arith.constant 64 : i32
      %mul3A_68 = arith.constant 25600 : i32
      %mul3A_69 = arith.muli %add3A, %mul3A_68 : i32
      %mul3A_70 = arith.constant 128 : i32
      %mul3A_71 = arith.muli %add3A_54, %mul3A_70 : i32
      %add3A_72 = arith.addi %mul3A_69, %mul3A_71 : i32
      %dma_start3A_73 = arith.constant 0 : i32
      %dma_start3A_74 = tpu.memref_slice %arg4[%add3A_72, %dma_start3A_73] : memref<819200x128xf32, #tpu.memory_space<hbm>> -> memref<128x64xf32, #tpu.memory_space<hbm>>
      %dma_start3A_75 = arith.constant 0 : i32
      %dma_start3A_76 = tpu.memref_slice %arg4[%add3A_72, %dma_start3A_75] : memref<819200x128xf32, #tpu.memory_space<hbm>> -> memref<128x64xf32, #tpu.memory_space<hbm>>
      tpu.enqueue_dma source(%arg6 : memref<128x64xf32, #tpu.memory_space<vmem>>) target(%dma_start3A_76 : memref<128x64xf32, #tpu.memory_space<hbm>>) target_semaphore(%arg22 : memref<!tpu.dma_semaphore, #tpu.memory_space<semaphore_mem>>)
      %ge3A = arith.constant 4 : i32
      %ge3A_77 = arith.cmpi sge, %add3A_54, %ge3A : i32
      %convert_element_type3A = arith.extui %ge3A_77 : i1 to i32
      %cond3A = arith.constant 0 : i32
      %cond3A_78 = arith.cmpi ne, %convert_element_type3A, %cond3A : i32
      scf.if %cond3A_78 {
        %dma_wait3A_352 = arith.constant 0 : i32
        %dma_wait3A_353 = arith.constant 0 : i32
        %dma_wait3A_354 = tpu.memref_slice %arg4[%dma_wait3A_352, %dma_wait3A_353] : memref<819200x128xf32, #tpu.memory_space<hbm>> -> memref<128x64xf32, #tpu.memory_space<hbm>>
        %dma_wait3A_355 = arith.constant 0 : i32
        %dma_wait3A_356 = arith.constant 0 : i32
        %dma_wait3A_357 = tpu.memref_slice %arg4[%dma_wait3A_355, %dma_wait3A_356] : memref<819200x128xf32, #tpu.memory_space<hbm>> -> memref<128x64xf32, #tpu.memory_space<hbm>>
        tpu.wait_dma2 semaphore(%arg26 : memref<!tpu.dma_semaphore, #tpu.memory_space<semaphore_mem>>) src(%arg10 : memref<128x64xf32, #tpu.memory_space<vmem>>) dst(%dma_wait3A_357 : memref<128x64xf32, #tpu.memory_space<hbm>>)
      } else {
      }
      %add3A_79 = arith.constant 4 : i32
      %add3A_80 = arith.addi %add3A_54, %add3A_79 : i32
      %lt3A = arith.constant 200 : i32
      %lt3A_81 = arith.cmpi slt, %add3A_80, %lt3A : i32
      %convert_element_type3A_82 = arith.extui %lt3A_81 : i1 to i32
      %cond3A_83 = arith.constant 0 : i32
      %cond3A_84 = arith.cmpi ne, %convert_element_type3A_82, %cond3A_83 : i32
      scf.if %cond3A_84 {
        %add3A_352 = arith.constant 4 : i32
        %add3A_353 = arith.addi %add3A_54, %add3A_352 : i32
        %mul3A_354 = arith.constant 128 : i32
        %mul3A_355 = arith.muli %add3A_353, %mul3A_354 : i32
        %dma_start3A_356 = tpu.memref_slice %arg5[%mul3A_355] : memref<25600xi32, #tpu.memory_space<vmem>> -> memref<128xi32, #tpu.memory_space<vmem>>
        %dma_start3A_357 = arith.constant 0 : i32
        %dma_start3A_358 = arith.constant 0 : i32
        %dma_start3A_359 = tpu.memref_slice %arg3[%dma_start3A_357, %dma_start3A_358] : memref<1000000x64xf32, #tpu.memory_space<hbm>> -> memref<1000000x64xf32, #tpu.memory_space<hbm>>
        tpu.enqueue_indirect_dma source(%dma_start3A_359 : memref<1000000x64xf32, #tpu.memory_space<hbm>>) target(%arg10 : memref<128x64xf32, #tpu.memory_space<vmem>>) offsets(%dma_start3A_356 : memref<128xi32, #tpu.memory_space<vmem>>) semaphore(%arg18 : memref<!tpu.dma_semaphore, #tpu.memory_space<semaphore_mem>>)
      } else {
      }
      %mul3A_85 = arith.constant 8 : i32
      %mul3A_86 = arith.muli %scan3A_49, %mul3A_85 : i32
      %add3A_87 = arith.constant 1 : i32
      %add3A_88 = arith.addi %mul3A_86, %add3A_87 : i32
      %dma_wait3A_89 = arith.constant 0 : i32
      %dma_wait3A_90 = arith.constant 0 : i32
      %dma_wait3A_91 = tpu.memref_slice %arg3[%dma_wait3A_89, %dma_wait3A_90] : memref<1000000x64xf32, #tpu.memory_space<hbm>> -> memref<128x64xf32, #tpu.memory_space<hbm>>
      %dma_wait3A_92 = arith.constant 0 : i32
      %dma_wait3A_93 = arith.constant 0 : i32
      %dma_wait3A_94 = tpu.memref_slice %arg3[%dma_wait3A_92, %dma_wait3A_93] : memref<1000000x64xf32, #tpu.memory_space<hbm>> -> memref<128x64xf32, #tpu.memory_space<hbm>>
      tpu.wait_dma2 semaphore(%arg15 : memref<!tpu.dma_semaphore, #tpu.memory_space<semaphore_mem>>) src(%dma_wait3A_94 : memref<128x64xf32, #tpu.memory_space<hbm>>) dst(%arg7 : memref<128x64xf32, #tpu.memory_space<vmem>>)
      %scan3A_95 = arith.constant 0 : i32
      %scan3A_96 = arith.constant 0 : i32
      %scan3A_97 = arith.constant 64 : i32
      %scan3A_98 = arith.addi %scan3A_96, %scan3A_97 : i32
      %scan3A_99 = arith.constant 1 : i32
      %scan3A_100 = scf.for %scan3A_352 = %scan3A_96 to %scan3A_98 step %scan3A_99 iter_args(%scan3A_353 = %scan3A_95) -> (i32)  : i32 {
        %mul3A_354 = arith.constant 2 : i32
        %mul3A_355 = arith.muli %scan3A_352, %mul3A_354 : i32
        %add3A_356 = arith.constant 0 : i32
        %add3A_357 = arith.addi %mul3A_355, %add3A_356 : i32
        %get3A = arith.index_cast %add3A_357 : i32 to index
        %get3A_358 = arith.constant 0 : index
        %get3A_359 = tpu.vector_load %arg7[%get3A, %get3A_358] {strides = array<i32>} : memref<128x64xf32, #tpu.memory_space<vmem>>, vector<1x16xf32>,
        %get3A_360 = vector.shape_cast %get3A_359 : vector<1x16xf32> to vector<16xf32>
        %mul3A_361 = arith.constant 8.000000e+00 : f32
        %mul3A_362 = vector.broadcast %mul3A_361 : f32 to vector<16xf32>
        %mul3A_363 = arith.mulf %get3A_360, %mul3A_362 : vector<16xf32>
        %mul3A_364 = arith.constant 2 : i32
        %mul3A_365 = arith.muli %scan3A_352, %mul3A_364 : i32
        %add3A_366 = arith.constant 0 : i32
        %add3A_367 = arith.addi %mul3A_365, %add3A_366 : i32
        %swap3A = arith.index_cast %add3A_367 : i32 to index
        %swap3A_368 = arith.constant 0 : index
        %swap3A_369 = tpu.vector_load %arg7[%swap3A, %swap3A_368] {strides = array<i32>} : memref<128x64xf32, #tpu.memory_space<vmem>>, vector<1x16xf32>,
        %swap3A_370 = vector.shape_cast %swap3A_369 : vector<1x16xf32> to vector<16xf32>
        %swap3A_371 = vector.shape_cast %mul3A_363 : vector<16xf32> to vector<1x16xf32>
        tpu.vector_store %arg7[%swap3A, %swap3A_368], %swap3A_371 {strides = array<i32>} : memref<128x64xf32, #tpu.memory_space<vmem>>, vector<1x16xf32>,
        %mul3A_372 = arith.constant 2 : i32
        %mul3A_373 = arith.muli %scan3A_352, %mul3A_372 : i32
        %add3A_374 = arith.constant 0 : i32
        %add3A_375 = arith.addi %mul3A_373, %add3A_374 : i32
        %get3A_376 = arith.index_cast %add3A_375 : i32 to index
        %get3A_377 = arith.constant 16 : index
        %get3A_378 = tpu.vector_load %arg7[%get3A_376, %get3A_377] {strides = array<i32>} : memref<128x64xf32, #tpu.memory_space<vmem>>, vector<1x16xf32>,
        %get3A_379 = vector.shape_cast %get3A_378 : vector<1x16xf32> to vector<16xf32>
        %mul3A_380 = arith.constant 8.000000e+00 : f32
        %mul3A_381 = vector.broadcast %mul3A_380 : f32 to vector<16xf32>
        %mul3A_382 = arith.mulf %get3A_379, %mul3A_381 : vector<16xf32>
        %mul3A_383 = arith.constant 2 : i32
        %mul3A_384 = arith.muli %scan3A_352, %mul3A_383 : i32
        %add3A_385 = arith.constant 0 : i32
        %add3A_386 = arith.addi %mul3A_384, %add3A_385 : i32
        %swap3A_387 = arith.index_cast %add3A_386 : i32 to index
        %swap3A_388 = arith.constant 16 : index
        %swap3A_389 = tpu.vector_load %arg7[%swap3A_387, %swap3A_388] {strides = array<i32>} : memref<128x64xf32, #tpu.memory_space<vmem>>, vector<1x16xf32>,
        %swap3A_390 = vector.shape_cast %swap3A_389 : vector<1x16xf32> to vector<16xf32>
        %swap3A_391 = vector.shape_cast %mul3A_382 : vector<16xf32> to vector<1x16xf32>
        tpu.vector_store %arg7[%swap3A_387, %swap3A_388], %swap3A_391 {strides = array<i32>} : memref<128x64xf32, #tpu.memory_space<vmem>>, vector<1x16xf32>,
        %mul3A_392 = arith.constant 2 : i32
        %mul3A_393 = arith.muli %scan3A_352, %mul3A_392 : i32
        %add3A_394 = arith.constant 0 : i32
        %add3A_395 = arith.addi %mul3A_393, %add3A_394 : i32
        %get3A_396 = arith.index_cast %add3A_395 : i32 to index
        %get3A_397 = arith.constant 32 : index
        %get3A_398 = tpu.vector_load %arg7[%get3A_396, %get3A_397] {strides = array<i32>} : memref<128x64xf32, #tpu.memory_space<vmem>>, vector<1x16xf32>,
        %get3A_399 = vector.shape_cast %get3A_398 : vector<1x16xf32> to vector<16xf32>
        %mul3A_400 = arith.constant 8.000000e+00 : f32
        %mul3A_401 = vector.broadcast %mul3A_400 : f32 to vector<16xf32>
        %mul3A_402 = arith.mulf %get3A_399, %mul3A_401 : vector<16xf32>
        %mul3A_403 = arith.constant 2 : i32
        %mul3A_404 = arith.muli %scan3A_352, %mul3A_403 : i32
        %add3A_405 = arith.constant 0 : i32
        %add3A_406 = arith.addi %mul3A_404, %add3A_405 : i32
        %swap3A_407 = arith.index_cast %add3A_406 : i32 to index
        %swap3A_408 = arith.constant 32 : index
        %swap3A_409 = tpu.vector_load %arg7[%swap3A_407, %swap3A_408] {strides = array<i32>} : memref<128x64xf32, #tpu.memory_space<vmem>>, vector<1x16xf32>,
        %swap3A_410 = vector.shape_cast %swap3A_409 : vector<1x16xf32> to vector<16xf32>
        %swap3A_411 = vector.shape_cast %mul3A_402 : vector<16xf32> to vector<1x16xf32>
        tpu.vector_store %arg7[%swap3A_407, %swap3A_408], %swap3A_411 {strides = array<i32>} : memref<128x64xf32, #tpu.memory_space<vmem>>, vector<1x16xf32>,
        %mul3A_412 = arith.constant 2 : i32
        %mul3A_413 = arith.muli %scan3A_352, %mul3A_412 : i32
        %add3A_414 = arith.constant 0 : i32
        %add3A_415 = arith.addi %mul3A_413, %add3A_414 : i32
        %get3A_416 = arith.index_cast %add3A_415 : i32 to index
        %get3A_417 = arith.constant 48 : index
        %get3A_418 = tpu.vector_load %arg7[%get3A_416, %get3A_417] {strides = array<i32>} : memref<128x64xf32, #tpu.memory_space<vmem>>, vector<1x16xf32>,
        %get3A_419 = vector.shape_cast %get3A_418 : vector<1x16xf32> to vector<16xf32>
        %mul3A_420 = arith.constant 8.000000e+00 : f32
        %mul3A_421 = vector.broadcast %mul3A_420 : f32 to vector<16xf32>
        %mul3A_422 = arith.mulf %get3A_419, %mul3A_421 : vector<16xf32>
        %mul3A_423 = arith.constant 2 : i32
        %mul3A_424 = arith.muli %scan3A_352, %mul3A_423 : i32
        %add3A_425 = arith.constant 0 : i32
        %add3A_426 = arith.addi %mul3A_424, %add3A_425 : i32
        %swap3A_427 = arith.index_cast %add3A_426 : i32 to index
        %swap3A_428 = arith.constant 48 : index
        %swap3A_429 = tpu.vector_load %arg7[%swap3A_427, %swap3A_428] {strides = array<i32>} : memref<128x64xf32, #tpu.memory_space<vmem>>, vector<1x16xf32>,
        %swap3A_430 = vector.shape_cast %swap3A_429 : vector<1x16xf32> to vector<16xf32>
        %swap3A_431 = vector.shape_cast %mul3A_422 : vector<16xf32> to vector<1x16xf32>
        tpu.vector_store %arg7[%swap3A_427, %swap3A_428], %swap3A_431 {strides = array<i32>} : memref<128x64xf32, #tpu.memory_space<vmem>>, vector<1x16xf32>,
        %mul3A_432 = arith.constant 2 : i32
        %mul3A_433 = arith.muli %scan3A_352, %mul3A_432 : i32
        %add3A_434 = arith.constant 1 : i32
        %add3A_435 = arith.addi %mul3A_433, %add3A_434 : i32
        %get3A_436 = arith.index_cast %add3A_435 : i32 to index
        %get3A_437 = arith.constant 0 : index
        %get3A_438 = tpu.vector_load %arg7[%get3A_436, %get3A_437] {strides = array<i32>} : memref<128x64xf32, #tpu.memory_space<vmem>>, vector<1x16xf32>,
        %get3A_439 = vector.shape_cast %get3A_438 : vector<1x16xf32> to vector<16xf32>
        %mul3A_440 = arith.constant 8.000000e+00 : f32
        %mul3A_441 = vector.broadcast %mul3A_440 : f32 to vector<16xf32>
        %mul3A_442 = arith.mulf %get3A_439, %mul3A_441 : vector<16xf32>
        %mul3A_443 = arith.constant 2 : i32
        %mul3A_444 = arith.muli %scan3A_352, %mul3A_443 : i32
        %add3A_445 = arith.constant 1 : i32
        %add3A_446 = arith.addi %mul3A_444, %add3A_445 : i32
        %swap3A_447 = arith.index_cast %add3A_446 : i32 to index
        %swap3A_448 = arith.constant 0 : index
        %swap3A_449 = tpu.vector_load %arg7[%swap3A_447, %swap3A_448] {strides = array<i32>} : memref<128x64xf32, #tpu.memory_space<vmem>>, vector<1x16xf32>,
        %swap3A_450 = vector.shape_cast %swap3A_449 : vector<1x16xf32> to vector<16xf32>
        %swap3A_451 = vector.shape_cast %mul3A_442 : vector<16xf32> to vector<1x16xf32>
        tpu.vector_store %arg7[%swap3A_447, %swap3A_448], %swap3A_451 {strides = array<i32>} : memref<128x64xf32, #tpu.memory_space<vmem>>, vector<1x16xf32>,
        %mul3A_452 = arith.constant 2 : i32
        %mul3A_453 = arith.muli %scan3A_352, %mul3A_452 : i32
        %add3A_454 = arith.constant 1 : i32
        %add3A_455 = arith.addi %mul3A_453, %add3A_454 : i32
        %get3A_456 = arith.index_cast %add3A_455 : i32 to index
        %get3A_457 = arith.constant 16 : index
        %get3A_458 = tpu.vector_load %arg7[%get3A_456, %get3A_457] {strides = array<i32>} : memref<128x64xf32, #tpu.memory_space<vmem>>, vector<1x16xf32>,
        %get3A_459 = vector.shape_cast %get3A_458 : vector<1x16xf32> to vector<16xf32>
        %mul3A_460 = arith.constant 8.000000e+00 : f32
        %mul3A_461 = vector.broadcast %mul3A_460 : f32 to vector<16xf32>
        %mul3A_462 = arith.mulf %get3A_459, %mul3A_461 : vector<16xf32>
        %mul3A_463 = arith.constant 2 : i32
        %mul3A_464 = arith.muli %scan3A_352, %mul3A_463 : i32
        %add3A_465 = arith.constant 1 : i32
        %add3A_466 = arith.addi %mul3A_464, %add3A_465 : i32
        %swap3A_467 = arith.index_cast %add3A_466 : i32 to index
        %swap3A_468 = arith.constant 16 : index
        %swap3A_469 = tpu.vector_load %arg7[%swap3A_467, %swap3A_468] {strides = array<i32>} : memref<128x64xf32, #tpu.memory_space<vmem>>, vector<1x16xf32>,
        %swap3A_470 = vector.shape_cast %swap3A_469 : vector<1x16xf32> to vector<16xf32>
        %swap3A_471 = vector.shape_cast %mul3A_462 : vector<16xf32> to vector<1x16xf32>
        tpu.vector_store %arg7[%swap3A_467, %swap3A_468], %swap3A_471 {strides = array<i32>} : memref<128x64xf32, #tpu.memory_space<vmem>>, vector<1x16xf32>,
        %mul3A_472 = arith.constant 2 : i32
        %mul3A_473 = arith.muli %scan3A_352, %mul3A_472 : i32
        %add3A_474 = arith.constant 1 : i32
        %add3A_475 = arith.addi %mul3A_473, %add3A_474 : i32
        %get3A_476 = arith.index_cast %add3A_475 : i32 to index
        %get3A_477 = arith.constant 32 : index
        %get3A_478 = tpu.vector_load %arg7[%get3A_476, %get3A_477] {strides = array<i32>} : memref<128x64xf32, #tpu.memory_space<vmem>>, vector<1x16xf32>,
        %get3A_479 = vector.shape_cast %get3A_478 : vector<1x16xf32> to vector<16xf32>
        %mul3A_480 = arith.constant 8.000000e+00 : f32
        %mul3A_481 = vector.broadcast %mul3A_480 : f32 to vector<16xf32>
        %mul3A_482 = arith.mulf %get3A_479, %mul3A_481 : vector<16xf32>
        %mul3A_483 = arith.constant 2 : i32
        %mul3A_484 = arith.muli %scan3A_352, %mul3A_483 : i32
        %add3A_485 = arith.constant 1 : i32
        %add3A_486 = arith.addi %mul3A_484, %add3A_485 : i32
        %swap3A_487 = arith.index_cast %add3A_486 : i32 to index
        %swap3A_488 = arith.constant 32 : index
        %swap3A_489 = tpu.vector_load %arg7[%swap3A_487, %swap3A_488] {strides = array<i32>} : memref<128x64xf32, #tpu.memory_space<vmem>>, vector<1x16xf32>,
        %swap3A_490 = vector.shape_cast %swap3A_489 : vector<1x16xf32> to vector<16xf32>
        %swap3A_491 = vector.shape_cast %mul3A_482 : vector<16xf32> to vector<1x16xf32>
        tpu.vector_store %arg7[%swap3A_487, %swap3A_488], %swap3A_491 {strides = array<i32>} : memref<128x64xf32, #tpu.memory_space<vmem>>, vector<1x16xf32>,
        %mul3A_492 = arith.constant 2 : i32
        %mul3A_493 = arith.muli %scan3A_352, %mul3A_492 : i32
        %add3A_494 = arith.constant 1 : i32
        %add3A_495 = arith.addi %mul3A_493, %add3A_494 : i32
        %get3A_496 = arith.index_cast %add3A_495 : i32 to index
        %get3A_497 = arith.constant 48 : index
        %get3A_498 = tpu.vector_load %arg7[%get3A_496, %get3A_497] {strides = array<i32>} : memref<128x64xf32, #tpu.memory_space<vmem>>, vector<1x16xf32>,
        %get3A_499 = vector.shape_cast %get3A_498 : vector<1x16xf32> to vector<16xf32>
        %mul3A_500 = arith.constant 8.000000e+00 : f32
        %mul3A_501 = vector.broadcast %mul3A_500 : f32 to vector<16xf32>
        %mul3A_502 = arith.mulf %get3A_499, %mul3A_501 : vector<16xf32>
        %mul3A_503 = arith.constant 2 : i32
        %mul3A_504 = arith.muli %scan3A_352, %mul3A_503 : i32
        %add3A_505 = arith.constant 1 : i32
        %add3A_506 = arith.addi %mul3A_504, %add3A_505 : i32
        %swap3A_507 = arith.index_cast %add3A_506 : i32 to index
        %swap3A_508 = arith.constant 48 : index
        %swap3A_509 = tpu.vector_load %arg7[%swap3A_507, %swap3A_508] {strides = array<i32>} : memref<128x64xf32, #tpu.memory_space<vmem>>, vector<1x16xf32>,
        %swap3A_510 = vector.shape_cast %swap3A_509 : vector<1x16xf32> to vector<16xf32>
        %swap3A_511 = vector.shape_cast %mul3A_502 : vector<16xf32> to vector<1x16xf32>
        tpu.vector_store %arg7[%swap3A_507, %swap3A_508], %swap3A_511 {strides = array<i32>} : memref<128x64xf32, #tpu.memory_space<vmem>>, vector<1x16xf32>,
        %scan3A_512 = arith.constant 0 : i32
        scf.yield %scan3A_512 : i32
      }
      %scan3A_101 = arith.constant 64 : i32
      %mul3A_102 = arith.constant 25600 : i32
      %mul3A_103 = arith.muli %add3A, %mul3A_102 : i32
      %mul3A_104 = arith.constant 128 : i32
      %mul3A_105 = arith.muli %add3A_88, %mul3A_104 : i32
      %add3A_106 = arith.addi %mul3A_103, %mul3A_105 : i32
      %dma_start3A_107 = arith.constant 0 : i32
      %dma_start3A_108 = tpu.memref_slice %arg4[%add3A_106, %dma_start3A_107] : memref<819200x128xf32, #tpu.memory_space<hbm>> -> memref<128x64xf32, #tpu.memory_space<hbm>>
      %dma_start3A_109 = arith.constant 0 : i32
      %dma_start3A_110 = tpu.memref_slice %arg4[%add3A_106, %dma_start3A_109] : memref<819200x128xf32, #tpu.memory_space<hbm>> -> memref<128x64xf32, #tpu.memory_space<hbm>>
      tpu.enqueue_dma source(%arg7 : memref<128x64xf32, #tpu.memory_space<vmem>>) target(%dma_start3A_110 : memref<128x64xf32, #tpu.memory_space<hbm>>) target_semaphore(%arg23 : memref<!tpu.dma_semaphore, #tpu.memory_space<semaphore_mem>>)
      %ge3A_111 = arith.constant 4 : i32
      %ge3A_112 = arith.cmpi sge, %add3A_88, %ge3A_111 : i32
      %convert_element_type3A_113 = arith.extui %ge3A_112 : i1 to i32
      %cond3A_114 = arith.constant 0 : i32
      %cond3A_115 = arith.cmpi ne, %convert_element_type3A_113, %cond3A_114 : i32
      scf.if %cond3A_115 {
        %dma_wait3A_352 = arith.constant 0 : i32
        %dma_wait3A_353 = arith.constant 0 : i32
        %dma_wait3A_354 = tpu.memref_slice %arg4[%dma_wait3A_352, %dma_wait3A_353] : memref<819200x128xf32, #tpu.memory_space<hbm>> -> memref<128x64xf32, #tpu.memory_space<hbm>>
        %dma_wait3A_355 = arith.constant 0 : i32
        %dma_wait3A_356 = arith.constant 0 : i32
        %dma_wait3A_357 = tpu.memref_slice %arg4[%dma_wait3A_355, %dma_wait3A_356] : memref<819200x128xf32, #tpu.memory_space<hbm>> -> memref<128x64xf32, #tpu.memory_space<hbm>>
        tpu.wait_dma2 semaphore(%arg27 : memref<!tpu.dma_semaphore, #tpu.memory_space<semaphore_mem>>) src(%arg11 : memref<128x64xf32, #tpu.memory_space<vmem>>) dst(%dma_wait3A_357 : memref<128x64xf32, #tpu.memory_space<hbm>>)
      } else {
      }
      %add3A_116 = arith.constant 4 : i32
      %add3A_117 = arith.addi %add3A_88, %add3A_116 : i32
      %lt3A_118 = arith.constant 200 : i32
      %lt3A_119 = arith.cmpi slt, %add3A_117, %lt3A_118 : i32
      %convert_element_type3A_120 = arith.extui %lt3A_119 : i1 to i32
      %cond3A_121 = arith.constant 0 : i32
      %cond3A_122 = arith.cmpi ne, %convert_element_type3A_120, %cond3A_121 : i32
      scf.if %cond3A_122 {
        %add3A_352 = arith.constant 4 : i32
        %add3A_353 = arith.addi %add3A_88, %add3A_352 : i32
        %mul3A_354 = arith.constant 128 : i32
        %mul3A_355 = arith.muli %add3A_353, %mul3A_354 : i32
        %dma_start3A_356 = tpu.memref_slice %arg5[%mul3A_355] : memref<25600xi32, #tpu.memory_space<vmem>> -> memref<128xi32, #tpu.memory_space<vmem>>
        %dma_start3A_357 = arith.constant 0 : i32
        %dma_start3A_358 = arith.constant 0 : i32
        %dma_start3A_359 = tpu.memref_slice %arg3[%dma_start3A_357, %dma_start3A_358] : memref<1000000x64xf32, #tpu.memory_space<hbm>> -> memref<1000000x64xf32, #tpu.memory_space<hbm>>
        tpu.enqueue_indirect_dma source(%dma_start3A_359 : memref<1000000x64xf32, #tpu.memory_space<hbm>>) target(%arg11 : memref<128x64xf32, #tpu.memory_space<vmem>>) offsets(%dma_start3A_356 : memref<128xi32, #tpu.memory_space<vmem>>) semaphore(%arg19 : memref<!tpu.dma_semaphore, #tpu.memory_space<semaphore_mem>>)
      } else {
      }
      %mul3A_123 = arith.constant 8 : i32
      %mul3A_124 = arith.muli %scan3A_49, %mul3A_123 : i32
      %add3A_125 = arith.constant 2 : i32
      %add3A_126 = arith.addi %mul3A_124, %add3A_125 : i32
      %dma_wait3A_127 = arith.constant 0 : i32
      %dma_wait3A_128 = arith.constant 0 : i32
      %dma_wait3A_129 = tpu.memref_slice %arg3[%dma_wait3A_127, %dma_wait3A_128] : memref<1000000x64xf32, #tpu.memory_space<hbm>> -> memref<128x64xf32, #tpu.memory_space<hbm>>
      %dma_wait3A_130 = arith.constant 0 : i32
      %dma_wait3A_131 = arith.constant 0 : i32
      %dma_wait3A_132 = tpu.memref_slice %arg3[%dma_wait3A_130, %dma_wait3A_131] : memref<1000000x64xf32, #tpu.memory_space<hbm>> -> memref<128x64xf32, #tpu.memory_space<hbm>>
      tpu.wait_dma2 semaphore(%arg16 : memref<!tpu.dma_semaphore, #tpu.memory_space<semaphore_mem>>) src(%dma_wait3A_132 : memref<128x64xf32, #tpu.memory_space<hbm>>) dst(%arg8 : memref<128x64xf32, #tpu.memory_space<vmem>>)
      %scan3A_133 = arith.constant 0 : i32
      %scan3A_134 = arith.constant 0 : i32
      %scan3A_135 = arith.constant 64 : i32
      %scan3A_136 = arith.addi %scan3A_134, %scan3A_135 : i32
      %scan3A_137 = arith.constant 1 : i32
      %scan3A_138 = scf.for %scan3A_352 = %scan3A_134 to %scan3A_136 step %scan3A_137 iter_args(%scan3A_353 = %scan3A_133) -> (i32)  : i32 {
        %mul3A_354 = arith.constant 2 : i32
        %mul3A_355 = arith.muli %scan3A_352, %mul3A_354 : i32
        %add3A_356 = arith.constant 0 : i32
        %add3A_357 = arith.addi %mul3A_355, %add3A_356 : i32
        %get3A = arith.index_cast %add3A_357 : i32 to index
        %get3A_358 = arith.constant 0 : index
        %get3A_359 = tpu.vector_load %arg8[%get3A, %get3A_358] {strides = array<i32>} : memref<128x64xf32, #tpu.memory_space<vmem>>, vector<1x16xf32>,
        %get3A_360 = vector.shape_cast %get3A_359 : vector<1x16xf32> to vector<16xf32>
        %mul3A_361 = arith.constant 8.000000e+00 : f32
        %mul3A_362 = vector.broadcast %mul3A_361 : f32 to vector<16xf32>
        %mul3A_363 = arith.mulf %get3A_360, %mul3A_362 : vector<16xf32>
        %mul3A_364 = arith.constant 2 : i32
        %mul3A_365 = arith.muli %scan3A_352, %mul3A_364 : i32
        %add3A_366 = arith.constant 0 : i32
        %add3A_367 = arith.addi %mul3A_365, %add3A_366 : i32
        %swap3A = arith.index_cast %add3A_367 : i32 to index
        %swap3A_368 = arith.constant 0 : index
        %swap3A_369 = tpu.vector_load %arg8[%swap3A, %swap3A_368] {strides = array<i32>} : memref<128x64xf32, #tpu.memory_space<vmem>>, vector<1x16xf32>,
        %swap3A_370 = vector.shape_cast %swap3A_369 : vector<1x16xf32> to vector<16xf32>
        %swap3A_371 = vector.shape_cast %mul3A_363 : vector<16xf32> to vector<1x16xf32>
        tpu.vector_store %arg8[%swap3A, %swap3A_368], %swap3A_371 {strides = array<i32>} : memref<128x64xf32, #tpu.memory_space<vmem>>, vector<1x16xf32>,
        %mul3A_372 = arith.constant 2 : i32
        %mul3A_373 = arith.muli %scan3A_352, %mul3A_372 : i32
        %add3A_374 = arith.constant 0 : i32
        %add3A_375 = arith.addi %mul3A_373, %add3A_374 : i32
        %get3A_376 = arith.index_cast %add3A_375 : i32 to index
        %get3A_377 = arith.constant 16 : index
        %get3A_378 = tpu.vector_load %arg8[%get3A_376, %get3A_377] {strides = array<i32>} : memref<128x64xf32, #tpu.memory_space<vmem>>, vector<1x16xf32>,
        %get3A_379 = vector.shape_cast %get3A_378 : vector<1x16xf32> to vector<16xf32>
        %mul3A_380 = arith.constant 8.000000e+00 : f32
        %mul3A_381 = vector.broadcast %mul3A_380 : f32 to vector<16xf32>
        %mul3A_382 = arith.mulf %get3A_379, %mul3A_381 : vector<16xf32>
        %mul3A_383 = arith.constant 2 : i32
        %mul3A_384 = arith.muli %scan3A_352, %mul3A_383 : i32
        %add3A_385 = arith.constant 0 : i32
        %add3A_386 = arith.addi %mul3A_384, %add3A_385 : i32
        %swap3A_387 = arith.index_cast %add3A_386 : i32 to index
        %swap3A_388 = arith.constant 16 : index
        %swap3A_389 = tpu.vector_load %arg8[%swap3A_387, %swap3A_388] {strides = array<i32>} : memref<128x64xf32, #tpu.memory_space<vmem>>, vector<1x16xf32>,
        %swap3A_390 = vector.shape_cast %swap3A_389 : vector<1x16xf32> to vector<16xf32>
        %swap3A_391 = vector.shape_cast %mul3A_382 : vector<16xf32> to vector<1x16xf32>
        tpu.vector_store %arg8[%swap3A_387, %swap3A_388], %swap3A_391 {strides = array<i32>} : memref<128x64xf32, #tpu.memory_space<vmem>>, vector<1x16xf32>,
        %mul3A_392 = arith.constant 2 : i32
        %mul3A_393 = arith.muli %scan3A_352, %mul3A_392 : i32
        %add3A_394 = arith.constant 0 : i32
        %add3A_395 = arith.addi %mul3A_393, %add3A_394 : i32
        %get3A_396 = arith.index_cast %add3A_395 : i32 to index
        %get3A_397 = arith.constant 32 : index
        %get3A_398 = tpu.vector_load %arg8[%get3A_396, %get3A_397] {strides = array<i32>} : memref<128x64xf32, #tpu.memory_space<vmem>>, vector<1x16xf32>,
        %get3A_399 = vector.shape_cast %get3A_398 : vector<1x16xf32> to vector<16xf32>
        %mul3A_400 = arith.constant 8.000000e+00 : f32
        %mul3A_401 = vector.broadcast %mul3A_400 : f32 to vector<16xf32>
        %mul3A_402 = arith.mulf %get3A_399, %mul3A_401 : vector<16xf32>
        %mul3A_403 = arith.constant 2 : i32
        %mul3A_404 = arith.muli %scan3A_352, %mul3A_403 : i32
        %add3A_405 = arith.constant 0 : i32
        %add3A_406 = arith.addi %mul3A_404, %add3A_405 : i32
        %swap3A_407 = arith.index_cast %add3A_406 : i32 to index
        %swap3A_408 = arith.constant 32 : index
        %swap3A_409 = tpu.vector_load %arg8[%swap3A_407, %swap3A_408] {strides = array<i32>} : memref<128x64xf32, #tpu.memory_space<vmem>>, vector<1x16xf32>,
        %swap3A_410 = vector.shape_cast %swap3A_409 : vector<1x16xf32> to vector<16xf32>
        %swap3A_411 = vector.shape_cast %mul3A_402 : vector<16xf32> to vector<1x16xf32>
        tpu.vector_store %arg8[%swap3A_407, %swap3A_408], %swap3A_411 {strides = array<i32>} : memref<128x64xf32, #tpu.memory_space<vmem>>, vector<1x16xf32>,
        %mul3A_412 = arith.constant 2 : i32
        %mul3A_413 = arith.muli %scan3A_352, %mul3A_412 : i32
        %add3A_414 = arith.constant 0 : i32
        %add3A_415 = arith.addi %mul3A_413, %add3A_414 : i32
        %get3A_416 = arith.index_cast %add3A_415 : i32 to index
        %get3A_417 = arith.constant 48 : index
        %get3A_418 = tpu.vector_load %arg8[%get3A_416, %get3A_417] {strides = array<i32>} : memref<128x64xf32, #tpu.memory_space<vmem>>, vector<1x16xf32>,
        %get3A_419 = vector.shape_cast %get3A_418 : vector<1x16xf32> to vector<16xf32>
        %mul3A_420 = arith.constant 8.000000e+00 : f32
        %mul3A_421 = vector.broadcast %mul3A_420 : f32 to vector<16xf32>
        %mul3A_422 = arith.mulf %get3A_419, %mul3A_421 : vector<16xf32>
        %mul3A_423 = arith.constant 2 : i32
        %mul3A_424 = arith.muli %scan3A_352, %mul3A_423 : i32
        %add3A_425 = arith.constant 0 : i32
        %add3A_426 = arith.addi %mul3A_424, %add3A_425 : i32
        %swap3A_427 = arith.index_cast %add3A_426 : i32 to index
        %swap3A_428 = arith.constant 48 : index
        %swap3A_429 = tpu.vector_load %arg8[%swap3A_427, %swap3A_428] {strides = array<i32>} : memref<128x64xf32, #tpu.memory_space<vmem>>, vector<1x16xf32>,
        %swap3A_430 = vector.shape_cast %swap3A_429 : vector<1x16xf32> to vector<16xf32>
        %swap3A_431 = vector.shape_cast %mul3A_422 : vector<16xf32> to vector<1x16xf32>
        tpu.vector_store %arg8[%swap3A_427, %swap3A_428], %swap3A_431 {strides = array<i32>} : memref<128x64xf32, #tpu.memory_space<vmem>>, vector<1x16xf32>,
        %mul3A_432 = arith.constant 2 : i32
        %mul3A_433 = arith.muli %scan3A_352, %mul3A_432 : i32
        %add3A_434 = arith.constant 1 : i32
        %add3A_435 = arith.addi %mul3A_433, %add3A_434 : i32
        %get3A_436 = arith.index_cast %add3A_435 : i32 to index
        %get3A_437 = arith.constant 0 : index
        %get3A_438 = tpu.vector_load %arg8[%get3A_436, %get3A_437] {strides = array<i32>} : memref<128x64xf32, #tpu.memory_space<vmem>>, vector<1x16xf32>,
        %get3A_439 = vector.shape_cast %get3A_438 : vector<1x16xf32> to vector<16xf32>
        %mul3A_440 = arith.constant 8.000000e+00 : f32
        %mul3A_441 = vector.broadcast %mul3A_440 : f32 to vector<16xf32>
        %mul3A_442 = arith.mulf %get3A_439, %mul3A_441 : vector<16xf32>
        %mul3A_443 = arith.constant 2 : i32
        %mul3A_444 = arith.muli %scan3A_352, %mul3A_443 : i32
        %add3A_445 = arith.constant 1 : i32
        %add3A_446 = arith.addi %mul3A_444, %add3A_445 : i32
        %swap3A_447 = arith.index_cast %add3A_446 : i32 to index
        %swap3A_448 = arith.constant 0 : index
        %swap3A_449 = tpu.vector_load %arg8[%swap3A_447, %swap3A_448] {strides = array<i32>} : memref<128x64xf32, #tpu.memory_space<vmem>>, vector<1x16xf32>,
        %swap3A_450 = vector.shape_cast %swap3A_449 : vector<1x16xf32> to vector<16xf32>
        %swap3A_451 = vector.shape_cast %mul3A_442 : vector<16xf32> to vector<1x16xf32>
        tpu.vector_store %arg8[%swap3A_447, %swap3A_448], %swap3A_451 {strides = array<i32>} : memref<128x64xf32, #tpu.memory_space<vmem>>, vector<1x16xf32>,
        %mul3A_452 = arith.constant 2 : i32
        %mul3A_453 = arith.muli %scan3A_352, %mul3A_452 : i32
        %add3A_454 = arith.constant 1 : i32
        %add3A_455 = arith.addi %mul3A_453, %add3A_454 : i32
        %get3A_456 = arith.index_cast %add3A_455 : i32 to index
        %get3A_457 = arith.constant 16 : index
        %get3A_458 = tpu.vector_load %arg8[%get3A_456, %get3A_457] {strides = array<i32>} : memref<128x64xf32, #tpu.memory_space<vmem>>, vector<1x16xf32>,
        %get3A_459 = vector.shape_cast %get3A_458 : vector<1x16xf32> to vector<16xf32>
        %mul3A_460 = arith.constant 8.000000e+00 : f32
        %mul3A_461 = vector.broadcast %mul3A_460 : f32 to vector<16xf32>
        %mul3A_462 = arith.mulf %get3A_459, %mul3A_461 : vector<16xf32>
        %mul3A_463 = arith.constant 2 : i32
        %mul3A_464 = arith.muli %scan3A_352, %mul3A_463 : i32
        %add3A_465 = arith.constant 1 : i32
        %add3A_466 = arith.addi %mul3A_464, %add3A_465 : i32
        %swap3A_467 = arith.index_cast %add3A_466 : i32 to index
        %swap3A_468 = arith.constant 16 : index
        %swap3A_469 = tpu.vector_load %arg8[%swap3A_467, %swap3A_468] {strides = array<i32>} : memref<128x64xf32, #tpu.memory_space<vmem>>, vector<1x16xf32>,
        %swap3A_470 = vector.shape_cast %swap3A_469 : vector<1x16xf32> to vector<16xf32>
        %swap3A_471 = vector.shape_cast %mul3A_462 : vector<16xf32> to vector<1x16xf32>
        tpu.vector_store %arg8[%swap3A_467, %swap3A_468], %swap3A_471 {strides = array<i32>} : memref<128x64xf32, #tpu.memory_space<vmem>>, vector<1x16xf32>,
        %mul3A_472 = arith.constant 2 : i32
        %mul3A_473 = arith.muli %scan3A_352, %mul3A_472 : i32
        %add3A_474 = arith.constant 1 : i32
        %add3A_475 = arith.addi %mul3A_473, %add3A_474 : i32
        %get3A_476 = arith.index_cast %add3A_475 : i32 to index
        %get3A_477 = arith.constant 32 : index
        %get3A_478 = tpu.vector_load %arg8[%get3A_476, %get3A_477] {strides = array<i32>} : memref<128x64xf32, #tpu.memory_space<vmem>>, vector<1x16xf32>,
        %get3A_479 = vector.shape_cast %get3A_478 : vector<1x16xf32> to vector<16xf32>
        %mul3A_480 = arith.constant 8.000000e+00 : f32
        %mul3A_481 = vector.broadcast %mul3A_480 : f32 to vector<16xf32>
        %mul3A_482 = arith.mulf %get3A_479, %mul3A_481 : vector<16xf32>
        %mul3A_483 = arith.constant 2 : i32
        %mul3A_484 = arith.muli %scan3A_352, %mul3A_483 : i32
        %add3A_485 = arith.constant 1 : i32
        %add3A_486 = arith.addi %mul3A_484, %add3A_485 : i32
        %swap3A_487 = arith.index_cast %add3A_486 : i32 to index
        %swap3A_488 = arith.constant 32 : index
        %swap3A_489 = tpu.vector_load %arg8[%swap3A_487, %swap3A_488] {strides = array<i32>} : memref<128x64xf32, #tpu.memory_space<vmem>>, vector<1x16xf32>,
        %swap3A_490 = vector.shape_cast %swap3A_489 : vector<1x16xf32> to vector<16xf32>
        %swap3A_491 = vector.shape_cast %mul3A_482 : vector<16xf32> to vector<1x16xf32>
        tpu.vector_store %arg8[%swap3A_487, %swap3A_488], %swap3A_491 {strides = array<i32>} : memref<128x64xf32, #tpu.memory_space<vmem>>, vector<1x16xf32>,
        %mul3A_492 = arith.constant 2 : i32
        %mul3A_493 = arith.muli %scan3A_352, %mul3A_492 : i32
        %add3A_494 = arith.constant 1 : i32
        %add3A_495 = arith.addi %mul3A_493, %add3A_494 : i32
        %get3A_496 = arith.index_cast %add3A_495 : i32 to index
        %get3A_497 = arith.constant 48 : index
        %get3A_498 = tpu.vector_load %arg8[%get3A_496, %get3A_497] {strides = array<i32>} : memref<128x64xf32, #tpu.memory_space<vmem>>, vector<1x16xf32>,
        %get3A_499 = vector.shape_cast %get3A_498 : vector<1x16xf32> to vector<16xf32>
        %mul3A_500 = arith.constant 8.000000e+00 : f32
        %mul3A_501 = vector.broadcast %mul3A_500 : f32 to vector<16xf32>
        %mul3A_502 = arith.mulf %get3A_499, %mul3A_501 : vector<16xf32>
        %mul3A_503 = arith.constant 2 : i32
        %mul3A_504 = arith.muli %scan3A_352, %mul3A_503 : i32
        %add3A_505 = arith.constant 1 : i32
        %add3A_506 = arith.addi %mul3A_504, %add3A_505 : i32
        %swap3A_507 = arith.index_cast %add3A_506 : i32 to index
        %swap3A_508 = arith.constant 48 : index
        %swap3A_509 = tpu.vector_load %arg8[%swap3A_507, %swap3A_508] {strides = array<i32>} : memref<128x64xf32, #tpu.memory_space<vmem>>, vector<1x16xf32>,
        %swap3A_510 = vector.shape_cast %swap3A_509 : vector<1x16xf32> to vector<16xf32>
        %swap3A_511 = vector.shape_cast %mul3A_502 : vector<16xf32> to vector<1x16xf32>
        tpu.vector_store %arg8[%swap3A_507, %swap3A_508], %swap3A_511 {strides = array<i32>} : memref<128x64xf32, #tpu.memory_space<vmem>>, vector<1x16xf32>,
        %scan3A_512 = arith.constant 0 : i32
        scf.yield %scan3A_512 : i32
      }
      %scan3A_139 = arith.constant 64 : i32
      %mul3A_140 = arith.constant 25600 : i32
      %mul3A_141 = arith.muli %add3A, %mul3A_140 : i32
      %mul3A_142 = arith.constant 128 : i32
      %mul3A_143 = arith.muli %add3A_126, %mul3A_142 : i32
      %add3A_144 = arith.addi %mul3A_141, %mul3A_143 : i32
      %dma_start3A_145 = arith.constant 0 : i32
      %dma_start3A_146 = tpu.memref_slice %arg4[%add3A_144, %dma_start3A_145] : memref<819200x128xf32, #tpu.memory_space<hbm>> -> memref<128x64xf32, #tpu.memory_space<hbm>>
      %dma_start3A_147 = arith.constant 0 : i32
      %dma_start3A_148 = tpu.memref_slice %arg4[%add3A_144, %dma_start3A_147] : memref<819200x128xf32, #tpu.memory_space<hbm>> -> memref<128x64xf32, #tpu.memory_space<hbm>>
      tpu.enqueue_dma source(%arg8 : memref<128x64xf32, #tpu.memory_space<vmem>>) target(%dma_start3A_148 : memref<128x64xf32, #tpu.memory_space<hbm>>) target_semaphore(%arg24 : memref<!tpu.dma_semaphore, #tpu.memory_space<semaphore_mem>>)
      %ge3A_149 = arith.constant 4 : i32
      %ge3A_150 = arith.cmpi sge, %add3A_126, %ge3A_149 : i32
      %convert_element_type3A_151 = arith.extui %ge3A_150 : i1 to i32
      %cond3A_152 = arith.constant 0 : i32
      %cond3A_153 = arith.cmpi ne, %convert_element_type3A_151, %cond3A_152 : i32
      scf.if %cond3A_153 {
        %dma_wait3A_352 = arith.constant 0 : i32
        %dma_wait3A_353 = arith.constant 0 : i32
        %dma_wait3A_354 = tpu.memref_slice %arg4[%dma_wait3A_352, %dma_wait3A_353] : memref<819200x128xf32, #tpu.memory_space<hbm>> -> memref<128x64xf32, #tpu.memory_space<hbm>>
        %dma_wait3A_355 = arith.constant 0 : i32
        %dma_wait3A_356 = arith.constant 0 : i32
        %dma_wait3A_357 = tpu.memref_slice %arg4[%dma_wait3A_355, %dma_wait3A_356] : memref<819200x128xf32, #tpu.memory_space<hbm>> -> memref<128x64xf32, #tpu.memory_space<hbm>>
        tpu.wait_dma2 semaphore(%arg28 : memref<!tpu.dma_semaphore, #tpu.memory_space<semaphore_mem>>) src(%arg12 : memref<128x64xf32, #tpu.memory_space<vmem>>) dst(%dma_wait3A_357 : memref<128x64xf32, #tpu.memory_space<hbm>>)
      } else {
      }
      %add3A_154 = arith.constant 4 : i32
      %add3A_155 = arith.addi %add3A_126, %add3A_154 : i32
      %lt3A_156 = arith.constant 200 : i32
      %lt3A_157 = arith.cmpi slt, %add3A_155, %lt3A_156 : i32
      %convert_element_type3A_158 = arith.extui %lt3A_157 : i1 to i32
      %cond3A_159 = arith.constant 0 : i32
      %cond3A_160 = arith.cmpi ne, %convert_element_type3A_158, %cond3A_159 : i32
      scf.if %cond3A_160 {
        %add3A_352 = arith.constant 4 : i32
        %add3A_353 = arith.addi %add3A_126, %add3A_352 : i32
        %mul3A_354 = arith.constant 128 : i32
        %mul3A_355 = arith.muli %add3A_353, %mul3A_354 : i32
        %dma_start3A_356 = tpu.memref_slice %arg5[%mul3A_355] : memref<25600xi32, #tpu.memory_space<vmem>> -> memref<128xi32, #tpu.memory_space<vmem>>
        %dma_start3A_357 = arith.constant 0 : i32
        %dma_start3A_358 = arith.constant 0 : i32
        %dma_start3A_359 = tpu.memref_slice %arg3[%dma_start3A_357, %dma_start3A_358] : memref<1000000x64xf32, #tpu.memory_space<hbm>> -> memref<1000000x64xf32, #tpu.memory_space<hbm>>
        tpu.enqueue_indirect_dma source(%dma_start3A_359 : memref<1000000x64xf32, #tpu.memory_space<hbm>>) target(%arg12 : memref<128x64xf32, #tpu.memory_space<vmem>>) offsets(%dma_start3A_356 : memref<128xi32, #tpu.memory_space<vmem>>) semaphore(%arg20 : memref<!tpu.dma_semaphore, #tpu.memory_space<semaphore_mem>>)
      } else {
      }
      %mul3A_161 = arith.constant 8 : i32
      %mul3A_162 = arith.muli %scan3A_49, %mul3A_161 : i32
      %add3A_163 = arith.constant 3 : i32
      %add3A_164 = arith.addi %mul3A_162, %add3A_163 : i32
      %dma_wait3A_165 = arith.constant 0 : i32
      %dma_wait3A_166 = arith.constant 0 : i32
      %dma_wait3A_167 = tpu.memref_slice %arg3[%dma_wait3A_165, %dma_wait3A_166] : memref<1000000x64xf32, #tpu.memory_space<hbm>> -> memref<128x64xf32, #tpu.memory_space<hbm>>
      %dma_wait3A_168 = arith.constant 0 : i32
      %dma_wait3A_169 = arith.constant 0 : i32
      %dma_wait3A_170 = tpu.memref_slice %arg3[%dma_wait3A_168, %dma_wait3A_169] : memref<1000000x64xf32, #tpu.memory_space<hbm>> -> memref<128x64xf32, #tpu.memory_space<hbm>>
      tpu.wait_dma2 semaphore(%arg17 : memref<!tpu.dma_semaphore, #tpu.memory_space<semaphore_mem>>) src(%dma_wait3A_170 : memref<128x64xf32, #tpu.memory_space<hbm>>) dst(%arg9 : memref<128x64xf32, #tpu.memory_space<vmem>>)
      %scan3A_171 = arith.constant 0 : i32
      %scan3A_172 = arith.constant 0 : i32
      %scan3A_173 = arith.constant 64 : i32
      %scan3A_174 = arith.addi %scan3A_172, %scan3A_173 : i32
      %scan3A_175 = arith.constant 1 : i32
      %scan3A_176 = scf.for %scan3A_352 = %scan3A_172 to %scan3A_174 step %scan3A_175 iter_args(%scan3A_353 = %scan3A_171) -> (i32)  : i32 {
        %mul3A_354 = arith.constant 2 : i32
        %mul3A_355 = arith.muli %scan3A_352, %mul3A_354 : i32
        %add3A_356 = arith.constant 0 : i32
        %add3A_357 = arith.addi %mul3A_355, %add3A_356 : i32
        %get3A = arith.index_cast %add3A_357 : i32 to index
        %get3A_358 = arith.constant 0 : index
        %get3A_359 = tpu.vector_load %arg9[%get3A, %get3A_358] {strides = array<i32>} : memref<128x64xf32, #tpu.memory_space<vmem>>, vector<1x16xf32>,
        %get3A_360 = vector.shape_cast %get3A_359 : vector<1x16xf32> to vector<16xf32>
        %mul3A_361 = arith.constant 8.000000e+00 : f32
        %mul3A_362 = vector.broadcast %mul3A_361 : f32 to vector<16xf32>
        %mul3A_363 = arith.mulf %get3A_360, %mul3A_362 : vector<16xf32>
        %mul3A_364 = arith.constant 2 : i32
        %mul3A_365 = arith.muli %scan3A_352, %mul3A_364 : i32
        %add3A_366 = arith.constant 0 : i32
        %add3A_367 = arith.addi %mul3A_365, %add3A_366 : i32
        %swap3A = arith.index_cast %add3A_367 : i32 to index
        %swap3A_368 = arith.constant 0 : index
        %swap3A_369 = tpu.vector_load %arg9[%swap3A, %swap3A_368] {strides = array<i32>} : memref<128x64xf32, #tpu.memory_space<vmem>>, vector<1x16xf32>,
        %swap3A_370 = vector.shape_cast %swap3A_369 : vector<1x16xf32> to vector<16xf32>
        %swap3A_371 = vector.shape_cast %mul3A_363 : vector<16xf32> to vector<1x16xf32>
        tpu.vector_store %arg9[%swap3A, %swap3A_368], %swap3A_371 {strides = array<i32>} : memref<128x64xf32, #tpu.memory_space<vmem>>, vector<1x16xf32>,
        %mul3A_372 = arith.constant 2 : i32
        %mul3A_373 = arith.muli %scan3A_352, %mul3A_372 : i32
        %add3A_374 = arith.constant 0 : i32
        %add3A_375 = arith.addi %mul3A_373, %add3A_374 : i32
        %get3A_376 = arith.index_cast %add3A_375 : i32 to index
        %get3A_377 = arith.constant 16 : index
        %get3A_378 = tpu.vector_load %arg9[%get3A_376, %get3A_377] {strides = array<i32>} : memref<128x64xf32, #tpu.memory_space<vmem>>, vector<1x16xf32>,
        %get3A_379 = vector.shape_cast %get3A_378 : vector<1x16xf32> to vector<16xf32>
        %mul3A_380 = arith.constant 8.000000e+00 : f32
        %mul3A_381 = vector.broadcast %mul3A_380 : f32 to vector<16xf32>
        %mul3A_382 = arith.mulf %get3A_379, %mul3A_381 : vector<16xf32>
        %mul3A_383 = arith.constant 2 : i32
        %mul3A_384 = arith.muli %scan3A_352, %mul3A_383 : i32
        %add3A_385 = arith.constant 0 : i32
        %add3A_386 = arith.addi %mul3A_384, %add3A_385 : i32
        %swap3A_387 = arith.index_cast %add3A_386 : i32 to index
        %swap3A_388 = arith.constant 16 : index
        %swap3A_389 = tpu.vector_load %arg9[%swap3A_387, %swap3A_388] {strides = array<i32>} : memref<128x64xf32, #tpu.memory_space<vmem>>, vector<1x16xf32>,
        %swap3A_390 = vector.shape_cast %swap3A_389 : vector<1x16xf32> to vector<16xf32>
        %swap3A_391 = vector.shape_cast %mul3A_382 : vector<16xf32> to vector<1x16xf32>
        tpu.vector_store %arg9[%swap3A_387, %swap3A_388], %swap3A_391 {strides = array<i32>} : memref<128x64xf32, #tpu.memory_space<vmem>>, vector<1x16xf32>,
        %mul3A_392 = arith.constant 2 : i32
        %mul3A_393 = arith.muli %scan3A_352, %mul3A_392 : i32
        %add3A_394 = arith.constant 0 : i32
        %add3A_395 = arith.addi %mul3A_393, %add3A_394 : i32
        %get3A_396 = arith.index_cast %add3A_395 : i32 to index
        %get3A_397 = arith.constant 32 : index
        %get3A_398 = tpu.vector_load %arg9[%get3A_396, %get3A_397] {strides = array<i32>} : memref<128x64xf32, #tpu.memory_space<vmem>>, vector<1x16xf32>,
        %get3A_399 = vector.shape_cast %get3A_398 : vector<1x16xf32> to vector<16xf32>
        %mul3A_400 = arith.constant 8.000000e+00 : f32
        %mul3A_401 = vector.broadcast %mul3A_400 : f32 to vector<16xf32>
        %mul3A_402 = arith.mulf %get3A_399, %mul3A_401 : vector<16xf32>
        %mul3A_403 = arith.constant 2 : i32
        %mul3A_404 = arith.muli %scan3A_352, %mul3A_403 : i32
        %add3A_405 = arith.constant 0 : i32
        %add3A_406 = arith.addi %mul3A_404, %add3A_405 : i32
        %swap3A_407 = arith.index_cast %add3A_406 : i32 to index
        %swap3A_408 = arith.constant 32 : index
        %swap3A_409 = tpu.vector_load %arg9[%swap3A_407, %swap3A_408] {strides = array<i32>} : memref<128x64xf32, #tpu.memory_space<vmem>>, vector<1x16xf32>,
        %swap3A_410 = vector.shape_cast %swap3A_409 : vector<1x16xf32> to vector<16xf32>
        %swap3A_411 = vector.shape_cast %mul3A_402 : vector<16xf32> to vector<1x16xf32>
        tpu.vector_store %arg9[%swap3A_407, %swap3A_408], %swap3A_411 {strides = array<i32>} : memref<128x64xf32, #tpu.memory_space<vmem>>, vector<1x16xf32>,
        %mul3A_412 = arith.constant 2 : i32
        %mul3A_413 = arith.muli %scan3A_352, %mul3A_412 : i32
        %add3A_414 = arith.constant 0 : i32
        %add3A_415 = arith.addi %mul3A_413, %add3A_414 : i32
        %get3A_416 = arith.index_cast %add3A_415 : i32 to index
        %get3A_417 = arith.constant 48 : index
        %get3A_418 = tpu.vector_load %arg9[%get3A_416, %get3A_417] {strides = array<i32>} : memref<128x64xf32, #tpu.memory_space<vmem>>, vector<1x16xf32>,
        %get3A_419 = vector.shape_cast %get3A_418 : vector<1x16xf32> to vector<16xf32>
        %mul3A_420 = arith.constant 8.000000e+00 : f32
        %mul3A_421 = vector.broadcast %mul3A_420 : f32 to vector<16xf32>
        %mul3A_422 = arith.mulf %get3A_419, %mul3A_421 : vector<16xf32>
        %mul3A_423 = arith.constant 2 : i32
        %mul3A_424 = arith.muli %scan3A_352, %mul3A_423 : i32
        %add3A_425 = arith.constant 0 : i32
        %add3A_426 = arith.addi %mul3A_424, %add3A_425 : i32
        %swap3A_427 = arith.index_cast %add3A_426 : i32 to index
        %swap3A_428 = arith.constant 48 : index
        %swap3A_429 = tpu.vector_load %arg9[%swap3A_427, %swap3A_428] {strides = array<i32>} : memref<128x64xf32, #tpu.memory_space<vmem>>, vector<1x16xf32>,
        %swap3A_430 = vector.shape_cast %swap3A_429 : vector<1x16xf32> to vector<16xf32>
        %swap3A_431 = vector.shape_cast %mul3A_422 : vector<16xf32> to vector<1x16xf32>
        tpu.vector_store %arg9[%swap3A_427, %swap3A_428], %swap3A_431 {strides = array<i32>} : memref<128x64xf32, #tpu.memory_space<vmem>>, vector<1x16xf32>,
        %mul3A_432 = arith.constant 2 : i32
        %mul3A_433 = arith.muli %scan3A_352, %mul3A_432 : i32
        %add3A_434 = arith.constant 1 : i32
        %add3A_435 = arith.addi %mul3A_433, %add3A_434 : i32
        %get3A_436 = arith.index_cast %add3A_435 : i32 to index
        %get3A_437 = arith.constant 0 : index
        %get3A_438 = tpu.vector_load %arg9[%get3A_436, %get3A_437] {strides = array<i32>} : memref<128x64xf32, #tpu.memory_space<vmem>>, vector<1x16xf32>,
        %get3A_439 = vector.shape_cast %get3A_438 : vector<1x16xf32> to vector<16xf32>
        %mul3A_440 = arith.constant 8.000000e+00 : f32
        %mul3A_441 = vector.broadcast %mul3A_440 : f32 to vector<16xf32>
        %mul3A_442 = arith.mulf %get3A_439, %mul3A_441 : vector<16xf32>
        %mul3A_443 = arith.constant 2 : i32
        %mul3A_444 = arith.muli %scan3A_352, %mul3A_443 : i32
        %add3A_445 = arith.constant 1 : i32
        %add3A_446 = arith.addi %mul3A_444, %add3A_445 : i32
        %swap3A_447 = arith.index_cast %add3A_446 : i32 to index
        %swap3A_448 = arith.constant 0 : index
        %swap3A_449 = tpu.vector_load %arg9[%swap3A_447, %swap3A_448] {strides = array<i32>} : memref<128x64xf32, #tpu.memory_space<vmem>>, vector<1x16xf32>,
        %swap3A_450 = vector.shape_cast %swap3A_449 : vector<1x16xf32> to vector<16xf32>
        %swap3A_451 = vector.shape_cast %mul3A_442 : vector<16xf32> to vector<1x16xf32>
        tpu.vector_store %arg9[%swap3A_447, %swap3A_448], %swap3A_451 {strides = array<i32>} : memref<128x64xf32, #tpu.memory_space<vmem>>, vector<1x16xf32>,
        %mul3A_452 = arith.constant 2 : i32
        %mul3A_453 = arith.muli %scan3A_352, %mul3A_452 : i32
        %add3A_454 = arith.constant 1 : i32
        %add3A_455 = arith.addi %mul3A_453, %add3A_454 : i32
        %get3A_456 = arith.index_cast %add3A_455 : i32 to index
        %get3A_457 = arith.constant 16 : index
        %get3A_458 = tpu.vector_load %arg9[%get3A_456, %get3A_457] {strides = array<i32>} : memref<128x64xf32, #tpu.memory_space<vmem>>, vector<1x16xf32>,
        %get3A_459 = vector.shape_cast %get3A_458 : vector<1x16xf32> to vector<16xf32>
        %mul3A_460 = arith.constant 8.000000e+00 : f32
        %mul3A_461 = vector.broadcast %mul3A_460 : f32 to vector<16xf32>
        %mul3A_462 = arith.mulf %get3A_459, %mul3A_461 : vector<16xf32>
        %mul3A_463 = arith.constant 2 : i32
        %mul3A_464 = arith.muli %scan3A_352, %mul3A_463 : i32
        %add3A_465 = arith.constant 1 : i32
        %add3A_466 = arith.addi %mul3A_464, %add3A_465 : i32
        %swap3A_467 = arith.index_cast %add3A_466 : i32 to index
        %swap3A_468 = arith.constant 16 : index
        %swap3A_469 = tpu.vector_load %arg9[%swap3A_467, %swap3A_468] {strides = array<i32>} : memref<128x64xf32, #tpu.memory_space<vmem>>, vector<1x16xf32>,
        %swap3A_470 = vector.shape_cast %swap3A_469 : vector<1x16xf32> to vector<16xf32>
        %swap3A_471 = vector.shape_cast %mul3A_462 : vector<16xf32> to vector<1x16xf32>
        tpu.vector_store %arg9[%swap3A_467, %swap3A_468], %swap3A_471 {strides = array<i32>} : memref<128x64xf32, #tpu.memory_space<vmem>>, vector<1x16xf32>,
        %mul3A_472 = arith.constant 2 : i32
        %mul3A_473 = arith.muli %scan3A_352, %mul3A_472 : i32
        %add3A_474 = arith.constant 1 : i32
        %add3A_475 = arith.addi %mul3A_473, %add3A_474 : i32
        %get3A_476 = arith.index_cast %add3A_475 : i32 to index
        %get3A_477 = arith.constant 32 : index
        %get3A_478 = tpu.vector_load %arg9[%get3A_476, %get3A_477] {strides = array<i32>} : memref<128x64xf32, #tpu.memory_space<vmem>>, vector<1x16xf32>,
        %get3A_479 = vector.shape_cast %get3A_478 : vector<1x16xf32> to vector<16xf32>
        %mul3A_480 = arith.constant 8.000000e+00 : f32
        %mul3A_481 = vector.broadcast %mul3A_480 : f32 to vector<16xf32>
        %mul3A_482 = arith.mulf %get3A_479, %mul3A_481 : vector<16xf32>
        %mul3A_483 = arith.constant 2 : i32
        %mul3A_484 = arith.muli %scan3A_352, %mul3A_483 : i32
        %add3A_485 = arith.constant 1 : i32
        %add3A_486 = arith.addi %mul3A_484, %add3A_485 : i32
        %swap3A_487 = arith.index_cast %add3A_486 : i32 to index
        %swap3A_488 = arith.constant 32 : index
        %swap3A_489 = tpu.vector_load %arg9[%swap3A_487, %swap3A_488] {strides = array<i32>} : memref<128x64xf32, #tpu.memory_space<vmem>>, vector<1x16xf32>,
        %swap3A_490 = vector.shape_cast %swap3A_489 : vector<1x16xf32> to vector<16xf32>
        %swap3A_491 = vector.shape_cast %mul3A_482 : vector<16xf32> to vector<1x16xf32>
        tpu.vector_store %arg9[%swap3A_487, %swap3A_488], %swap3A_491 {strides = array<i32>} : memref<128x64xf32, #tpu.memory_space<vmem>>, vector<1x16xf32>,
        %mul3A_492 = arith.constant 2 : i32
        %mul3A_493 = arith.muli %scan3A_352, %mul3A_492 : i32
        %add3A_494 = arith.constant 1 : i32
        %add3A_495 = arith.addi %mul3A_493, %add3A_494 : i32
        %get3A_496 = arith.index_cast %add3A_495 : i32 to index
        %get3A_497 = arith.constant 48 : index
        %get3A_498 = tpu.vector_load %arg9[%get3A_496, %get3A_497] {strides = array<i32>} : memref<128x64xf32, #tpu.memory_space<vmem>>, vector<1x16xf32>,
        %get3A_499 = vector.shape_cast %get3A_498 : vector<1x16xf32> to vector<16xf32>
        %mul3A_500 = arith.constant 8.000000e+00 : f32
        %mul3A_501 = vector.broadcast %mul3A_500 : f32 to vector<16xf32>
        %mul3A_502 = arith.mulf %get3A_499, %mul3A_501 : vector<16xf32>
        %mul3A_503 = arith.constant 2 : i32
        %mul3A_504 = arith.muli %scan3A_352, %mul3A_503 : i32
        %add3A_505 = arith.constant 1 : i32
        %add3A_506 = arith.addi %mul3A_504, %add3A_505 : i32
        %swap3A_507 = arith.index_cast %add3A_506 : i32 to index
        %swap3A_508 = arith.constant 48 : index
        %swap3A_509 = tpu.vector_load %arg9[%swap3A_507, %swap3A_508] {strides = array<i32>} : memref<128x64xf32, #tpu.memory_space<vmem>>, vector<1x16xf32>,
        %swap3A_510 = vector.shape_cast %swap3A_509 : vector<1x16xf32> to vector<16xf32>
        %swap3A_511 = vector.shape_cast %mul3A_502 : vector<16xf32> to vector<1x16xf32>
        tpu.vector_store %arg9[%swap3A_507, %swap3A_508], %swap3A_511 {strides = array<i32>} : memref<128x64xf32, #tpu.memory_space<vmem>>, vector<1x16xf32>,
        %scan3A_512 = arith.constant 0 : i32
        scf.yield %scan3A_512 : i32
      }
      %scan3A_177 = arith.constant 64 : i32
      %mul3A_178 = arith.constant 25600 : i32
      %mul3A_179 = arith.muli %add3A, %mul3A_178 : i32
      %mul3A_180 = arith.constant 128 : i32
      %mul3A_181 = arith.muli %add3A_164, %mul3A_180 : i32
      %add3A_182 = arith.addi %mul3A_179, %mul3A_181 : i32
      %dma_start3A_183 = arith.constant 0 : i32
      %dma_start3A_184 = tpu.memref_slice %arg4[%add3A_182, %dma_start3A_183] : memref<819200x128xf32, #tpu.memory_space<hbm>> -> memref<128x64xf32, #tpu.memory_space<hbm>>
      %dma_start3A_185 = arith.constant 0 : i32
      %dma_start3A_186 = tpu.memref_slice %arg4[%add3A_182, %dma_start3A_185] : memref<819200x128xf32, #tpu.memory_space<hbm>> -> memref<128x64xf32, #tpu.memory_space<hbm>>
      tpu.enqueue_dma source(%arg9 : memref<128x64xf32, #tpu.memory_space<vmem>>) target(%dma_start3A_186 : memref<128x64xf32, #tpu.memory_space<hbm>>) target_semaphore(%arg25 : memref<!tpu.dma_semaphore, #tpu.memory_space<semaphore_mem>>)
      %ge3A_187 = arith.constant 4 : i32
      %ge3A_188 = arith.cmpi sge, %add3A_164, %ge3A_187 : i32
      %convert_element_type3A_189 = arith.extui %ge3A_188 : i1 to i32
      %cond3A_190 = arith.constant 0 : i32
      %cond3A_191 = arith.cmpi ne, %convert_element_type3A_189, %cond3A_190 : i32
      scf.if %cond3A_191 {
        %dma_wait3A_352 = arith.constant 0 : i32
        %dma_wait3A_353 = arith.constant 0 : i32
        %dma_wait3A_354 = tpu.memref_slice %arg4[%dma_wait3A_352, %dma_wait3A_353] : memref<819200x128xf32, #tpu.memory_space<hbm>> -> memref<128x64xf32, #tpu.memory_space<hbm>>
        %dma_wait3A_355 = arith.constant 0 : i32
        %dma_wait3A_356 = arith.constant 0 : i32
        %dma_wait3A_357 = tpu.memref_slice %arg4[%dma_wait3A_355, %dma_wait3A_356] : memref<819200x128xf32, #tpu.memory_space<hbm>> -> memref<128x64xf32, #tpu.memory_space<hbm>>
        tpu.wait_dma2 semaphore(%arg29 : memref<!tpu.dma_semaphore, #tpu.memory_space<semaphore_mem>>) src(%arg13 : memref<128x64xf32, #tpu.memory_space<vmem>>) dst(%dma_wait3A_357 : memref<128x64xf32, #tpu.memory_space<hbm>>)
      } else {
      }
      %add3A_192 = arith.constant 4 : i32
      %add3A_193 = arith.addi %add3A_164, %add3A_192 : i32
      %lt3A_194 = arith.constant 200 : i32
      %lt3A_195 = arith.cmpi slt, %add3A_193, %lt3A_194 : i32
      %convert_element_type3A_196 = arith.extui %lt3A_195 : i1 to i32
      %cond3A_197 = arith.constant 0 : i32
      %cond3A_198 = arith.cmpi ne, %convert_element_type3A_196, %cond3A_197 : i32
      scf.if %cond3A_198 {
        %add3A_352 = arith.constant 4 : i32
        %add3A_353 = arith.addi %add3A_164, %add3A_352 : i32
        %mul3A_354 = arith.constant 128 : i32
        %mul3A_355 = arith.muli %add3A_353, %mul3A_354 : i32
        %dma_start3A_356 = tpu.memref_slice %arg5[%mul3A_355] : memref<25600xi32, #tpu.memory_space<vmem>> -> memref<128xi32, #tpu.memory_space<vmem>>
        %dma_start3A_357 = arith.constant 0 : i32
        %dma_start3A_358 = arith.constant 0 : i32
        %dma_start3A_359 = tpu.memref_slice %arg3[%dma_start3A_357, %dma_start3A_358] : memref<1000000x64xf32, #tpu.memory_space<hbm>> -> memref<1000000x64xf32, #tpu.memory_space<hbm>>
        tpu.enqueue_indirect_dma source(%dma_start3A_359 : memref<1000000x64xf32, #tpu.memory_space<hbm>>) target(%arg13 : memref<128x64xf32, #tpu.memory_space<vmem>>) offsets(%dma_start3A_356 : memref<128xi32, #tpu.memory_space<vmem>>) semaphore(%arg21 : memref<!tpu.dma_semaphore, #tpu.memory_space<semaphore_mem>>)
      } else {
      }
      %mul3A_199 = arith.constant 8 : i32
      %mul3A_200 = arith.muli %scan3A_49, %mul3A_199 : i32
      %add3A_201 = arith.constant 4 : i32
      %add3A_202 = arith.addi %mul3A_200, %add3A_201 : i32
      %dma_wait3A_203 = arith.constant 0 : i32
      %dma_wait3A_204 = arith.constant 0 : i32
      %dma_wait3A_205 = tpu.memref_slice %arg3[%dma_wait3A_203, %dma_wait3A_204] : memref<1000000x64xf32, #tpu.memory_space<hbm>> -> memref<128x64xf32, #tpu.memory_space<hbm>>
      %dma_wait3A_206 = arith.constant 0 : i32
      %dma_wait3A_207 = arith.constant 0 : i32
      %dma_wait3A_208 = tpu.memref_slice %arg3[%dma_wait3A_206, %dma_wait3A_207] : memref<1000000x64xf32, #tpu.memory_space<hbm>> -> memref<128x64xf32, #tpu.memory_space<hbm>>
      tpu.wait_dma2 semaphore(%arg18 : memref<!tpu.dma_semaphore, #tpu.memory_space<semaphore_mem>>) src(%dma_wait3A_208 : memref<128x64xf32, #tpu.memory_space<hbm>>) dst(%arg10 : memref<128x64xf32, #tpu.memory_space<vmem>>)
      %scan3A_209 = arith.constant 0 : i32
      %scan3A_210 = arith.constant 0 : i32
      %scan3A_211 = arith.constant 64 : i32
      %scan3A_212 = arith.addi %scan3A_210, %scan3A_211 : i32
      %scan3A_213 = arith.constant 1 : i32
      %scan3A_214 = scf.for %scan3A_352 = %scan3A_210 to %scan3A_212 step %scan3A_213 iter_args(%scan3A_353 = %scan3A_209) -> (i32)  : i32 {
        %mul3A_354 = arith.constant 2 : i32
        %mul3A_355 = arith.muli %scan3A_352, %mul3A_354 : i32
        %add3A_356 = arith.constant 0 : i32
        %add3A_357 = arith.addi %mul3A_355, %add3A_356 : i32
        %get3A = arith.index_cast %add3A_357 : i32 to index
        %get3A_358 = arith.constant 0 : index
        %get3A_359 = tpu.vector_load %arg10[%get3A, %get3A_358] {strides = array<i32>} : memref<128x64xf32, #tpu.memory_space<vmem>>, vector<1x16xf32>,
        %get3A_360 = vector.shape_cast %get3A_359 : vector<1x16xf32> to vector<16xf32>
        %mul3A_361 = arith.constant 8.000000e+00 : f32
        %mul3A_362 = vector.broadcast %mul3A_361 : f32 to vector<16xf32>
        %mul3A_363 = arith.mulf %get3A_360, %mul3A_362 : vector<16xf32>
        %mul3A_364 = arith.constant 2 : i32
        %mul3A_365 = arith.muli %scan3A_352, %mul3A_364 : i32
        %add3A_366 = arith.constant 0 : i32
        %add3A_367 = arith.addi %mul3A_365, %add3A_366 : i32
        %swap3A = arith.index_cast %add3A_367 : i32 to index
        %swap3A_368 = arith.constant 0 : index
        %swap3A_369 = tpu.vector_load %arg10[%swap3A, %swap3A_368] {strides = array<i32>} : memref<128x64xf32, #tpu.memory_space<vmem>>, vector<1x16xf32>,
        %swap3A_370 = vector.shape_cast %swap3A_369 : vector<1x16xf32> to vector<16xf32>
        %swap3A_371 = vector.shape_cast %mul3A_363 : vector<16xf32> to vector<1x16xf32>
        tpu.vector_store %arg10[%swap3A, %swap3A_368], %swap3A_371 {strides = array<i32>} : memref<128x64xf32, #tpu.memory_space<vmem>>, vector<1x16xf32>,
        %mul3A_372 = arith.constant 2 : i32
        %mul3A_373 = arith.muli %scan3A_352, %mul3A_372 : i32
        %add3A_374 = arith.constant 0 : i32
        %add3A_375 = arith.addi %mul3A_373, %add3A_374 : i32
        %get3A_376 = arith.index_cast %add3A_375 : i32 to index
        %get3A_377 = arith.constant 16 : index
        %get3A_378 = tpu.vector_load %arg10[%get3A_376, %get3A_377] {strides = array<i32>} : memref<128x64xf32, #tpu.memory_space<vmem>>, vector<1x16xf32>,
        %get3A_379 = vector.shape_cast %get3A_378 : vector<1x16xf32> to vector<16xf32>
        %mul3A_380 = arith.constant 8.000000e+00 : f32
        %mul3A_381 = vector.broadcast %mul3A_380 : f32 to vector<16xf32>
        %mul3A_382 = arith.mulf %get3A_379, %mul3A_381 : vector<16xf32>
        %mul3A_383 = arith.constant 2 : i32
        %mul3A_384 = arith.muli %scan3A_352, %mul3A_383 : i32
        %add3A_385 = arith.constant 0 : i32
        %add3A_386 = arith.addi %mul3A_384, %add3A_385 : i32
        %swap3A_387 = arith.index_cast %add3A_386 : i32 to index
        %swap3A_388 = arith.constant 16 : index
        %swap3A_389 = tpu.vector_load %arg10[%swap3A_387, %swap3A_388] {strides = array<i32>} : memref<128x64xf32, #tpu.memory_space<vmem>>, vector<1x16xf32>,
        %swap3A_390 = vector.shape_cast %swap3A_389 : vector<1x16xf32> to vector<16xf32>
        %swap3A_391 = vector.shape_cast %mul3A_382 : vector<16xf32> to vector<1x16xf32>
        tpu.vector_store %arg10[%swap3A_387, %swap3A_388], %swap3A_391 {strides = array<i32>} : memref<128x64xf32, #tpu.memory_space<vmem>>, vector<1x16xf32>,
        %mul3A_392 = arith.constant 2 : i32
        %mul3A_393 = arith.muli %scan3A_352, %mul3A_392 : i32
        %add3A_394 = arith.constant 0 : i32
        %add3A_395 = arith.addi %mul3A_393, %add3A_394 : i32
        %get3A_396 = arith.index_cast %add3A_395 : i32 to index
        %get3A_397 = arith.constant 32 : index
        %get3A_398 = tpu.vector_load %arg10[%get3A_396, %get3A_397] {strides = array<i32>} : memref<128x64xf32, #tpu.memory_space<vmem>>, vector<1x16xf32>,
        %get3A_399 = vector.shape_cast %get3A_398 : vector<1x16xf32> to vector<16xf32>
        %mul3A_400 = arith.constant 8.000000e+00 : f32
        %mul3A_401 = vector.broadcast %mul3A_400 : f32 to vector<16xf32>
        %mul3A_402 = arith.mulf %get3A_399, %mul3A_401 : vector<16xf32>
        %mul3A_403 = arith.constant 2 : i32
        %mul3A_404 = arith.muli %scan3A_352, %mul3A_403 : i32
        %add3A_405 = arith.constant 0 : i32
        %add3A_406 = arith.addi %mul3A_404, %add3A_405 : i32
        %swap3A_407 = arith.index_cast %add3A_406 : i32 to index
        %swap3A_408 = arith.constant 32 : index
        %swap3A_409 = tpu.vector_load %arg10[%swap3A_407, %swap3A_408] {strides = array<i32>} : memref<128x64xf32, #tpu.memory_space<vmem>>, vector<1x16xf32>,
        %swap3A_410 = vector.shape_cast %swap3A_409 : vector<1x16xf32> to vector<16xf32>
        %swap3A_411 = vector.shape_cast %mul3A_402 : vector<16xf32> to vector<1x16xf32>
        tpu.vector_store %arg10[%swap3A_407, %swap3A_408], %swap3A_411 {strides = array<i32>} : memref<128x64xf32, #tpu.memory_space<vmem>>, vector<1x16xf32>,
        %mul3A_412 = arith.constant 2 : i32
        %mul3A_413 = arith.muli %scan3A_352, %mul3A_412 : i32
        %add3A_414 = arith.constant 0 : i32
        %add3A_415 = arith.addi %mul3A_413, %add3A_414 : i32
        %get3A_416 = arith.index_cast %add3A_415 : i32 to index
        %get3A_417 = arith.constant 48 : index
        %get3A_418 = tpu.vector_load %arg10[%get3A_416, %get3A_417] {strides = array<i32>} : memref<128x64xf32, #tpu.memory_space<vmem>>, vector<1x16xf32>,
        %get3A_419 = vector.shape_cast %get3A_418 : vector<1x16xf32> to vector<16xf32>
        %mul3A_420 = arith.constant 8.000000e+00 : f32
        %mul3A_421 = vector.broadcast %mul3A_420 : f32 to vector<16xf32>
        %mul3A_422 = arith.mulf %get3A_419, %mul3A_421 : vector<16xf32>
        %mul3A_423 = arith.constant 2 : i32
        %mul3A_424 = arith.muli %scan3A_352, %mul3A_423 : i32
        %add3A_425 = arith.constant 0 : i32
        %add3A_426 = arith.addi %mul3A_424, %add3A_425 : i32
        %swap3A_427 = arith.index_cast %add3A_426 : i32 to index
        %swap3A_428 = arith.constant 48 : index
        %swap3A_429 = tpu.vector_load %arg10[%swap3A_427, %swap3A_428] {strides = array<i32>} : memref<128x64xf32, #tpu.memory_space<vmem>>, vector<1x16xf32>,
        %swap3A_430 = vector.shape_cast %swap3A_429 : vector<1x16xf32> to vector<16xf32>
        %swap3A_431 = vector.shape_cast %mul3A_422 : vector<16xf32> to vector<1x16xf32>
        tpu.vector_store %arg10[%swap3A_427, %swap3A_428], %swap3A_431 {strides = array<i32>} : memref<128x64xf32, #tpu.memory_space<vmem>>, vector<1x16xf32>,
        %mul3A_432 = arith.constant 2 : i32
        %mul3A_433 = arith.muli %scan3A_352, %mul3A_432 : i32
        %add3A_434 = arith.constant 1 : i32
        %add3A_435 = arith.addi %mul3A_433, %add3A_434 : i32
        %get3A_436 = arith.index_cast %add3A_435 : i32 to index
        %get3A_437 = arith.constant 0 : index
        %get3A_438 = tpu.vector_load %arg10[%get3A_436, %get3A_437] {strides = array<i32>} : memref<128x64xf32, #tpu.memory_space<vmem>>, vector<1x16xf32>,
        %get3A_439 = vector.shape_cast %get3A_438 : vector<1x16xf32> to vector<16xf32>
        %mul3A_440 = arith.constant 8.000000e+00 : f32
        %mul3A_441 = vector.broadcast %mul3A_440 : f32 to vector<16xf32>
        %mul3A_442 = arith.mulf %get3A_439, %mul3A_441 : vector<16xf32>
        %mul3A_443 = arith.constant 2 : i32
        %mul3A_444 = arith.muli %scan3A_352, %mul3A_443 : i32
        %add3A_445 = arith.constant 1 : i32
        %add3A_446 = arith.addi %mul3A_444, %add3A_445 : i32
        %swap3A_447 = arith.index_cast %add3A_446 : i32 to index
        %swap3A_448 = arith.constant 0 : index
        %swap3A_449 = tpu.vector_load %arg10[%swap3A_447, %swap3A_448] {strides = array<i32>} : memref<128x64xf32, #tpu.memory_space<vmem>>, vector<1x16xf32>,
        %swap3A_450 = vector.shape_cast %swap3A_449 : vector<1x16xf32> to vector<16xf32>
        %swap3A_451 = vector.shape_cast %mul3A_442 : vector<16xf32> to vector<1x16xf32>
        tpu.vector_store %arg10[%swap3A_447, %swap3A_448], %swap3A_451 {strides = array<i32>} : memref<128x64xf32, #tpu.memory_space<vmem>>, vector<1x16xf32>,
        %mul3A_452 = arith.constant 2 : i32
        %mul3A_453 = arith.muli %scan3A_352, %mul3A_452 : i32
        %add3A_454 = arith.constant 1 : i32
        %add3A_455 = arith.addi %mul3A_453, %add3A_454 : i32
        %get3A_456 = arith.index_cast %add3A_455 : i32 to index
        %get3A_457 = arith.constant 16 : index
        %get3A_458 = tpu.vector_load %arg10[%get3A_456, %get3A_457] {strides = array<i32>} : memref<128x64xf32, #tpu.memory_space<vmem>>, vector<1x16xf32>,
        %get3A_459 = vector.shape_cast %get3A_458 : vector<1x16xf32> to vector<16xf32>
        %mul3A_460 = arith.constant 8.000000e+00 : f32
        %mul3A_461 = vector.broadcast %mul3A_460 : f32 to vector<16xf32>
        %mul3A_462 = arith.mulf %get3A_459, %mul3A_461 : vector<16xf32>
        %mul3A_463 = arith.constant 2 : i32
        %mul3A_464 = arith.muli %scan3A_352, %mul3A_463 : i32
        %add3A_465 = arith.constant 1 : i32
        %add3A_466 = arith.addi %mul3A_464, %add3A_465 : i32
        %swap3A_467 = arith.index_cast %add3A_466 : i32 to index
        %swap3A_468 = arith.constant 16 : index
        %swap3A_469 = tpu.vector_load %arg10[%swap3A_467, %swap3A_468] {strides = array<i32>} : memref<128x64xf32, #tpu.memory_space<vmem>>, vector<1x16xf32>,
        %swap3A_470 = vector.shape_cast %swap3A_469 : vector<1x16xf32> to vector<16xf32>
        %swap3A_471 = vector.shape_cast %mul3A_462 : vector<16xf32> to vector<1x16xf32>
        tpu.vector_store %arg10[%swap3A_467, %swap3A_468], %swap3A_471 {strides = array<i32>} : memref<128x64xf32, #tpu.memory_space<vmem>>, vector<1x16xf32>,
        %mul3A_472 = arith.constant 2 : i32
        %mul3A_473 = arith.muli %scan3A_352, %mul3A_472 : i32
        %add3A_474 = arith.constant 1 : i32
        %add3A_475 = arith.addi %mul3A_473, %add3A_474 : i32
        %get3A_476 = arith.index_cast %add3A_475 : i32 to index
        %get3A_477 = arith.constant 32 : index
        %get3A_478 = tpu.vector_load %arg10[%get3A_476, %get3A_477] {strides = array<i32>} : memref<128x64xf32, #tpu.memory_space<vmem>>, vector<1x16xf32>,
        %get3A_479 = vector.shape_cast %get3A_478 : vector<1x16xf32> to vector<16xf32>
        %mul3A_480 = arith.constant 8.000000e+00 : f32
        %mul3A_481 = vector.broadcast %mul3A_480 : f32 to vector<16xf32>
        %mul3A_482 = arith.mulf %get3A_479, %mul3A_481 : vector<16xf32>
        %mul3A_483 = arith.constant 2 : i32
        %mul3A_484 = arith.muli %scan3A_352, %mul3A_483 : i32
        %add3A_485 = arith.constant 1 : i32
        %add3A_486 = arith.addi %mul3A_484, %add3A_485 : i32
        %swap3A_487 = arith.index_cast %add3A_486 : i32 to index
        %swap3A_488 = arith.constant 32 : index
        %swap3A_489 = tpu.vector_load %arg10[%swap3A_487, %swap3A_488] {strides = array<i32>} : memref<128x64xf32, #tpu.memory_space<vmem>>, vector<1x16xf32>,
        %swap3A_490 = vector.shape_cast %swap3A_489 : vector<1x16xf32> to vector<16xf32>
        %swap3A_491 = vector.shape_cast %mul3A_482 : vector<16xf32> to vector<1x16xf32>
        tpu.vector_store %arg10[%swap3A_487, %swap3A_488], %swap3A_491 {strides = array<i32>} : memref<128x64xf32, #tpu.memory_space<vmem>>, vector<1x16xf32>,
        %mul3A_492 = arith.constant 2 : i32
        %mul3A_493 = arith.muli %scan3A_352, %mul3A_492 : i32
        %add3A_494 = arith.constant 1 : i32
        %add3A_495 = arith.addi %mul3A_493, %add3A_494 : i32
        %get3A_496 = arith.index_cast %add3A_495 : i32 to index
        %get3A_497 = arith.constant 48 : index
        %get3A_498 = tpu.vector_load %arg10[%get3A_496, %get3A_497] {strides = array<i32>} : memref<128x64xf32, #tpu.memory_space<vmem>>, vector<1x16xf32>,
        %get3A_499 = vector.shape_cast %get3A_498 : vector<1x16xf32> to vector<16xf32>
        %mul3A_500 = arith.constant 8.000000e+00 : f32
        %mul3A_501 = vector.broadcast %mul3A_500 : f32 to vector<16xf32>
        %mul3A_502 = arith.mulf %get3A_499, %mul3A_501 : vector<16xf32>
        %mul3A_503 = arith.constant 2 : i32
        %mul3A_504 = arith.muli %scan3A_352, %mul3A_503 : i32
        %add3A_505 = arith.constant 1 : i32
        %add3A_506 = arith.addi %mul3A_504, %add3A_505 : i32
        %swap3A_507 = arith.index_cast %add3A_506 : i32 to index
        %swap3A_508 = arith.constant 48 : index
        %swap3A_509 = tpu.vector_load %arg10[%swap3A_507, %swap3A_508] {strides = array<i32>} : memref<128x64xf32, #tpu.memory_space<vmem>>, vector<1x16xf32>,
        %swap3A_510 = vector.shape_cast %swap3A_509 : vector<1x16xf32> to vector<16xf32>
        %swap3A_511 = vector.shape_cast %mul3A_502 : vector<16xf32> to vector<1x16xf32>
        tpu.vector_store %arg10[%swap3A_507, %swap3A_508], %swap3A_511 {strides = array<i32>} : memref<128x64xf32, #tpu.memory_space<vmem>>, vector<1x16xf32>,
        %scan3A_512 = arith.constant 0 : i32
        scf.yield %scan3A_512 : i32
      }
      %scan3A_215 = arith.constant 64 : i32
      %mul3A_216 = arith.constant 25600 : i32
      %mul3A_217 = arith.muli %add3A, %mul3A_216 : i32
      %mul3A_218 = arith.constant 128 : i32
      %mul3A_219 = arith.muli %add3A_202, %mul3A_218 : i32
      %add3A_220 = arith.addi %mul3A_217, %mul3A_219 : i32
      %dma_start3A_221 = arith.constant 0 : i32
      %dma_start3A_222 = tpu.memref_slice %arg4[%add3A_220, %dma_start3A_221] : memref<819200x128xf32, #tpu.memory_space<hbm>> -> memref<128x64xf32, #tpu.memory_space<hbm>>
      %dma_start3A_223 = arith.constant 0 : i32
      %dma_start3A_224 = tpu.memref_slice %arg4[%add3A_220, %dma_start3A_223] : memref<819200x128xf32, #tpu.memory_space<hbm>> -> memref<128x64xf32, #tpu.memory_space<hbm>>
      tpu.enqueue_dma source(%arg10 : memref<128x64xf32, #tpu.memory_space<vmem>>) target(%dma_start3A_224 : memref<128x64xf32, #tpu.memory_space<hbm>>) target_semaphore(%arg26 : memref<!tpu.dma_semaphore, #tpu.memory_space<semaphore_mem>>)
      %ge3A_225 = arith.constant 4 : i32
      %ge3A_226 = arith.cmpi sge, %add3A_202, %ge3A_225 : i32
      %convert_element_type3A_227 = arith.extui %ge3A_226 : i1 to i32
      %cond3A_228 = arith.constant 0 : i32
      %cond3A_229 = arith.cmpi ne, %convert_element_type3A_227, %cond3A_228 : i32
      scf.if %cond3A_229 {
        %dma_wait3A_352 = arith.constant 0 : i32
        %dma_wait3A_353 = arith.constant 0 : i32
        %dma_wait3A_354 = tpu.memref_slice %arg4[%dma_wait3A_352, %dma_wait3A_353] : memref<819200x128xf32, #tpu.memory_space<hbm>> -> memref<128x64xf32, #tpu.memory_space<hbm>>
        %dma_wait3A_355 = arith.constant 0 : i32
        %dma_wait3A_356 = arith.constant 0 : i32
        %dma_wait3A_357 = tpu.memref_slice %arg4[%dma_wait3A_355, %dma_wait3A_356] : memref<819200x128xf32, #tpu.memory_space<hbm>> -> memref<128x64xf32, #tpu.memory_space<hbm>>
        tpu.wait_dma2 semaphore(%arg22 : memref<!tpu.dma_semaphore, #tpu.memory_space<semaphore_mem>>) src(%arg6 : memref<128x64xf32, #tpu.memory_space<vmem>>) dst(%dma_wait3A_357 : memref<128x64xf32, #tpu.memory_space<hbm>>)
      } else {
      }
      %add3A_230 = arith.constant 4 : i32
      %add3A_231 = arith.addi %add3A_202, %add3A_230 : i32
      %lt3A_232 = arith.constant 200 : i32
      %lt3A_233 = arith.cmpi slt, %add3A_231, %lt3A_232 : i32
      %convert_element_type3A_234 = arith.extui %lt3A_233 : i1 to i32
      %cond3A_235 = arith.constant 0 : i32
      %cond3A_236 = arith.cmpi ne, %convert_element_type3A_234, %cond3A_235 : i32
      scf.if %cond3A_236 {
        %add3A_352 = arith.constant 4 : i32
        %add3A_353 = arith.addi %add3A_202, %add3A_352 : i32
        %mul3A_354 = arith.constant 128 : i32
        %mul3A_355 = arith.muli %add3A_353, %mul3A_354 : i32
        %dma_start3A_356 = tpu.memref_slice %arg5[%mul3A_355] : memref<25600xi32, #tpu.memory_space<vmem>> -> memref<128xi32, #tpu.memory_space<vmem>>
        %dma_start3A_357 = arith.constant 0 : i32
        %dma_start3A_358 = arith.constant 0 : i32
        %dma_start3A_359 = tpu.memref_slice %arg3[%dma_start3A_357, %dma_start3A_358] : memref<1000000x64xf32, #tpu.memory_space<hbm>> -> memref<1000000x64xf32, #tpu.memory_space<hbm>>
        tpu.enqueue_indirect_dma source(%dma_start3A_359 : memref<1000000x64xf32, #tpu.memory_space<hbm>>) target(%arg6 : memref<128x64xf32, #tpu.memory_space<vmem>>) offsets(%dma_start3A_356 : memref<128xi32, #tpu.memory_space<vmem>>) semaphore(%arg14 : memref<!tpu.dma_semaphore, #tpu.memory_space<semaphore_mem>>)
      } else {
      }
      %mul3A_237 = arith.constant 8 : i32
      %mul3A_238 = arith.muli %scan3A_49, %mul3A_237 : i32
      %add3A_239 = arith.constant 5 : i32
      %add3A_240 = arith.addi %mul3A_238, %add3A_239 : i32
      %dma_wait3A_241 = arith.constant 0 : i32
      %dma_wait3A_242 = arith.constant 0 : i32
      %dma_wait3A_243 = tpu.memref_slice %arg3[%dma_wait3A_241, %dma_wait3A_242] : memref<1000000x64xf32, #tpu.memory_space<hbm>> -> memref<128x64xf32, #tpu.memory_space<hbm>>
      %dma_wait3A_244 = arith.constant 0 : i32
      %dma_wait3A_245 = arith.constant 0 : i32
      %dma_wait3A_246 = tpu.memref_slice %arg3[%dma_wait3A_244, %dma_wait3A_245] : memref<1000000x64xf32, #tpu.memory_space<hbm>> -> memref<128x64xf32, #tpu.memory_space<hbm>>
      tpu.wait_dma2 semaphore(%arg19 : memref<!tpu.dma_semaphore, #tpu.memory_space<semaphore_mem>>) src(%dma_wait3A_246 : memref<128x64xf32, #tpu.memory_space<hbm>>) dst(%arg11 : memref<128x64xf32, #tpu.memory_space<vmem>>)
      %scan3A_247 = arith.constant 0 : i32
      %scan3A_248 = arith.constant 0 : i32
      %scan3A_249 = arith.constant 64 : i32
      %scan3A_250 = arith.addi %scan3A_248, %scan3A_249 : i32
      %scan3A_251 = arith.constant 1 : i32
      %scan3A_252 = scf.for %scan3A_352 = %scan3A_248 to %scan3A_250 step %scan3A_251 iter_args(%scan3A_353 = %scan3A_247) -> (i32)  : i32 {
        %mul3A_354 = arith.constant 2 : i32
        %mul3A_355 = arith.muli %scan3A_352, %mul3A_354 : i32
        %add3A_356 = arith.constant 0 : i32
        %add3A_357 = arith.addi %mul3A_355, %add3A_356 : i32
        %get3A = arith.index_cast %add3A_357 : i32 to index
        %get3A_358 = arith.constant 0 : index
        %get3A_359 = tpu.vector_load %arg11[%get3A, %get3A_358] {strides = array<i32>} : memref<128x64xf32, #tpu.memory_space<vmem>>, vector<1x16xf32>,
        %get3A_360 = vector.shape_cast %get3A_359 : vector<1x16xf32> to vector<16xf32>
        %mul3A_361 = arith.constant 8.000000e+00 : f32
        %mul3A_362 = vector.broadcast %mul3A_361 : f32 to vector<16xf32>
        %mul3A_363 = arith.mulf %get3A_360, %mul3A_362 : vector<16xf32>
        %mul3A_364 = arith.constant 2 : i32
        %mul3A_365 = arith.muli %scan3A_352, %mul3A_364 : i32
        %add3A_366 = arith.constant 0 : i32
        %add3A_367 = arith.addi %mul3A_365, %add3A_366 : i32
        %swap3A = arith.index_cast %add3A_367 : i32 to index
        %swap3A_368 = arith.constant 0 : index
        %swap3A_369 = tpu.vector_load %arg11[%swap3A, %swap3A_368] {strides = array<i32>} : memref<128x64xf32, #tpu.memory_space<vmem>>, vector<1x16xf32>,
        %swap3A_370 = vector.shape_cast %swap3A_369 : vector<1x16xf32> to vector<16xf32>
        %swap3A_371 = vector.shape_cast %mul3A_363 : vector<16xf32> to vector<1x16xf32>
        tpu.vector_store %arg11[%swap3A, %swap3A_368], %swap3A_371 {strides = array<i32>} : memref<128x64xf32, #tpu.memory_space<vmem>>, vector<1x16xf32>,
        %mul3A_372 = arith.constant 2 : i32
        %mul3A_373 = arith.muli %scan3A_352, %mul3A_372 : i32
        %add3A_374 = arith.constant 0 : i32
        %add3A_375 = arith.addi %mul3A_373, %add3A_374 : i32
        %get3A_376 = arith.index_cast %add3A_375 : i32 to index
        %get3A_377 = arith.constant 16 : index
        %get3A_378 = tpu.vector_load %arg11[%get3A_376, %get3A_377] {strides = array<i32>} : memref<128x64xf32, #tpu.memory_space<vmem>>, vector<1x16xf32>,
        %get3A_379 = vector.shape_cast %get3A_378 : vector<1x16xf32> to vector<16xf32>
        %mul3A_380 = arith.constant 8.000000e+00 : f32
        %mul3A_381 = vector.broadcast %mul3A_380 : f32 to vector<16xf32>
        %mul3A_382 = arith.mulf %get3A_379, %mul3A_381 : vector<16xf32>
        %mul3A_383 = arith.constant 2 : i32
        %mul3A_384 = arith.muli %scan3A_352, %mul3A_383 : i32
        %add3A_385 = arith.constant 0 : i32
        %add3A_386 = arith.addi %mul3A_384, %add3A_385 : i32
        %swap3A_387 = arith.index_cast %add3A_386 : i32 to index
        %swap3A_388 = arith.constant 16 : index
        %swap3A_389 = tpu.vector_load %arg11[%swap3A_387, %swap3A_388] {strides = array<i32>} : memref<128x64xf32, #tpu.memory_space<vmem>>, vector<1x16xf32>,
        %swap3A_390 = vector.shape_cast %swap3A_389 : vector<1x16xf32> to vector<16xf32>
        %swap3A_391 = vector.shape_cast %mul3A_382 : vector<16xf32> to vector<1x16xf32>
        tpu.vector_store %arg11[%swap3A_387, %swap3A_388], %swap3A_391 {strides = array<i32>} : memref<128x64xf32, #tpu.memory_space<vmem>>, vector<1x16xf32>,
        %mul3A_392 = arith.constant 2 : i32
        %mul3A_393 = arith.muli %scan3A_352, %mul3A_392 : i32
        %add3A_394 = arith.constant 0 : i32
        %add3A_395 = arith.addi %mul3A_393, %add3A_394 : i32
        %get3A_396 = arith.index_cast %add3A_395 : i32 to index
        %get3A_397 = arith.constant 32 : index
        %get3A_398 = tpu.vector_load %arg11[%get3A_396, %get3A_397] {strides = array<i32>} : memref<128x64xf32, #tpu.memory_space<vmem>>, vector<1x16xf32>,
        %get3A_399 = vector.shape_cast %get3A_398 : vector<1x16xf32> to vector<16xf32>
        %mul3A_400 = arith.constant 8.000000e+00 : f32
        %mul3A_401 = vector.broadcast %mul3A_400 : f32 to vector<16xf32>
        %mul3A_402 = arith.mulf %get3A_399, %mul3A_401 : vector<16xf32>
        %mul3A_403 = arith.constant 2 : i32
        %mul3A_404 = arith.muli %scan3A_352, %mul3A_403 : i32
        %add3A_405 = arith.constant 0 : i32
        %add3A_406 = arith.addi %mul3A_404, %add3A_405 : i32
        %swap3A_407 = arith.index_cast %add3A_406 : i32 to index
        %swap3A_408 = arith.constant 32 : index
        %swap3A_409 = tpu.vector_load %arg11[%swap3A_407, %swap3A_408] {strides = array<i32>} : memref<128x64xf32, #tpu.memory_space<vmem>>, vector<1x16xf32>,
        %swap3A_410 = vector.shape_cast %swap3A_409 : vector<1x16xf32> to vector<16xf32>
        %swap3A_411 = vector.shape_cast %mul3A_402 : vector<16xf32> to vector<1x16xf32>
        tpu.vector_store %arg11[%swap3A_407, %swap3A_408], %swap3A_411 {strides = array<i32>} : memref<128x64xf32, #tpu.memory_space<vmem>>, vector<1x16xf32>,
        %mul3A_412 = arith.constant 2 : i32
        %mul3A_413 = arith.muli %scan3A_352, %mul3A_412 : i32
        %add3A_414 = arith.constant 0 : i32
        %add3A_415 = arith.addi %mul3A_413, %add3A_414 : i32
        %get3A_416 = arith.index_cast %add3A_415 : i32 to index
        %get3A_417 = arith.constant 48 : index
        %get3A_418 = tpu.vector_load %arg11[%get3A_416, %get3A_417] {strides = array<i32>} : memref<128x64xf32, #tpu.memory_space<vmem>>, vector<1x16xf32>,
        %get3A_419 = vector.shape_cast %get3A_418 : vector<1x16xf32> to vector<16xf32>
        %mul3A_420 = arith.constant 8.000000e+00 : f32
        %mul3A_421 = vector.broadcast %mul3A_420 : f32 to vector<16xf32>
        %mul3A_422 = arith.mulf %get3A_419, %mul3A_421 : vector<16xf32>
        %mul3A_423 = arith.constant 2 : i32
        %mul3A_424 = arith.muli %scan3A_352, %mul3A_423 : i32
        %add3A_425 = arith.constant 0 : i32
        %add3A_426 = arith.addi %mul3A_424, %add3A_425 : i32
        %swap3A_427 = arith.index_cast %add3A_426 : i32 to index
        %swap3A_428 = arith.constant 48 : index
        %swap3A_429 = tpu.vector_load %arg11[%swap3A_427, %swap3A_428] {strides = array<i32>} : memref<128x64xf32, #tpu.memory_space<vmem>>, vector<1x16xf32>,
        %swap3A_430 = vector.shape_cast %swap3A_429 : vector<1x16xf32> to vector<16xf32>
        %swap3A_431 = vector.shape_cast %mul3A_422 : vector<16xf32> to vector<1x16xf32>
        tpu.vector_store %arg11[%swap3A_427, %swap3A_428], %swap3A_431 {strides = array<i32>} : memref<128x64xf32, #tpu.memory_space<vmem>>, vector<1x16xf32>,
        %mul3A_432 = arith.constant 2 : i32
        %mul3A_433 = arith.muli %scan3A_352, %mul3A_432 : i32
        %add3A_434 = arith.constant 1 : i32
        %add3A_435 = arith.addi %mul3A_433, %add3A_434 : i32
        %get3A_436 = arith.index_cast %add3A_435 : i32 to index
        %get3A_437 = arith.constant 0 : index
        %get3A_438 = tpu.vector_load %arg11[%get3A_436, %get3A_437] {strides = array<i32>} : memref<128x64xf32, #tpu.memory_space<vmem>>, vector<1x16xf32>,
        %get3A_439 = vector.shape_cast %get3A_438 : vector<1x16xf32> to vector<16xf32>
        %mul3A_440 = arith.constant 8.000000e+00 : f32
        %mul3A_441 = vector.broadcast %mul3A_440 : f32 to vector<16xf32>
        %mul3A_442 = arith.mulf %get3A_439, %mul3A_441 : vector<16xf32>
        %mul3A_443 = arith.constant 2 : i32
        %mul3A_444 = arith.muli %scan3A_352, %mul3A_443 : i32
        %add3A_445 = arith.constant 1 : i32
        %add3A_446 = arith.addi %mul3A_444, %add3A_445 : i32
        %swap3A_447 = arith.index_cast %add3A_446 : i32 to index
        %swap3A_448 = arith.constant 0 : index
        %swap3A_449 = tpu.vector_load %arg11[%swap3A_447, %swap3A_448] {strides = array<i32>} : memref<128x64xf32, #tpu.memory_space<vmem>>, vector<1x16xf32>,
        %swap3A_450 = vector.shape_cast %swap3A_449 : vector<1x16xf32> to vector<16xf32>
        %swap3A_451 = vector.shape_cast %mul3A_442 : vector<16xf32> to vector<1x16xf32>
        tpu.vector_store %arg11[%swap3A_447, %swap3A_448], %swap3A_451 {strides = array<i32>} : memref<128x64xf32, #tpu.memory_space<vmem>>, vector<1x16xf32>,
        %mul3A_452 = arith.constant 2 : i32
        %mul3A_453 = arith.muli %scan3A_352, %mul3A_452 : i32
        %add3A_454 = arith.constant 1 : i32
        %add3A_455 = arith.addi %mul3A_453, %add3A_454 : i32
        %get3A_456 = arith.index_cast %add3A_455 : i32 to index
        %get3A_457 = arith.constant 16 : index
        %get3A_458 = tpu.vector_load %arg11[%get3A_456, %get3A_457] {strides = array<i32>} : memref<128x64xf32, #tpu.memory_space<vmem>>, vector<1x16xf32>,
        %get3A_459 = vector.shape_cast %get3A_458 : vector<1x16xf32> to vector<16xf32>
        %mul3A_460 = arith.constant 8.000000e+00 : f32
        %mul3A_461 = vector.broadcast %mul3A_460 : f32 to vector<16xf32>
        %mul3A_462 = arith.mulf %get3A_459, %mul3A_461 : vector<16xf32>
        %mul3A_463 = arith.constant 2 : i32
        %mul3A_464 = arith.muli %scan3A_352, %mul3A_463 : i32
        %add3A_465 = arith.constant 1 : i32
        %add3A_466 = arith.addi %mul3A_464, %add3A_465 : i32
        %swap3A_467 = arith.index_cast %add3A_466 : i32 to index
        %swap3A_468 = arith.constant 16 : index
        %swap3A_469 = tpu.vector_load %arg11[%swap3A_467, %swap3A_468] {strides = array<i32>} : memref<128x64xf32, #tpu.memory_space<vmem>>, vector<1x16xf32>,
        %swap3A_470 = vector.shape_cast %swap3A_469 : vector<1x16xf32> to vector<16xf32>
        %swap3A_471 = vector.shape_cast %mul3A_462 : vector<16xf32> to vector<1x16xf32>
        tpu.vector_store %arg11[%swap3A_467, %swap3A_468], %swap3A_471 {strides = array<i32>} : memref<128x64xf32, #tpu.memory_space<vmem>>, vector<1x16xf32>,
        %mul3A_472 = arith.constant 2 : i32
        %mul3A_473 = arith.muli %scan3A_352, %mul3A_472 : i32
        %add3A_474 = arith.constant 1 : i32
        %add3A_475 = arith.addi %mul3A_473, %add3A_474 : i32
        %get3A_476 = arith.index_cast %add3A_475 : i32 to index
        %get3A_477 = arith.constant 32 : index
        %get3A_478 = tpu.vector_load %arg11[%get3A_476, %get3A_477] {strides = array<i32>} : memref<128x64xf32, #tpu.memory_space<vmem>>, vector<1x16xf32>,
        %get3A_479 = vector.shape_cast %get3A_478 : vector<1x16xf32> to vector<16xf32>
        %mul3A_480 = arith.constant 8.000000e+00 : f32
        %mul3A_481 = vector.broadcast %mul3A_480 : f32 to vector<16xf32>
        %mul3A_482 = arith.mulf %get3A_479, %mul3A_481 : vector<16xf32>
        %mul3A_483 = arith.constant 2 : i32
        %mul3A_484 = arith.muli %scan3A_352, %mul3A_483 : i32
        %add3A_485 = arith.constant 1 : i32
        %add3A_486 = arith.addi %mul3A_484, %add3A_485 : i32
        %swap3A_487 = arith.index_cast %add3A_486 : i32 to index
        %swap3A_488 = arith.constant 32 : index
        %swap3A_489 = tpu.vector_load %arg11[%swap3A_487, %swap3A_488] {strides = array<i32>} : memref<128x64xf32, #tpu.memory_space<vmem>>, vector<1x16xf32>,
        %swap3A_490 = vector.shape_cast %swap3A_489 : vector<1x16xf32> to vector<16xf32>
        %swap3A_491 = vector.shape_cast %mul3A_482 : vector<16xf32> to vector<1x16xf32>
        tpu.vector_store %arg11[%swap3A_487, %swap3A_488], %swap3A_491 {strides = array<i32>} : memref<128x64xf32, #tpu.memory_space<vmem>>, vector<1x16xf32>,
        %mul3A_492 = arith.constant 2 : i32
        %mul3A_493 = arith.muli %scan3A_352, %mul3A_492 : i32
        %add3A_494 = arith.constant 1 : i32
        %add3A_495 = arith.addi %mul3A_493, %add3A_494 : i32
        %get3A_496 = arith.index_cast %add3A_495 : i32 to index
        %get3A_497 = arith.constant 48 : index
        %get3A_498 = tpu.vector_load %arg11[%get3A_496, %get3A_497] {strides = array<i32>} : memref<128x64xf32, #tpu.memory_space<vmem>>, vector<1x16xf32>,
        %get3A_499 = vector.shape_cast %get3A_498 : vector<1x16xf32> to vector<16xf32>
        %mul3A_500 = arith.constant 8.000000e+00 : f32
        %mul3A_501 = vector.broadcast %mul3A_500 : f32 to vector<16xf32>
        %mul3A_502 = arith.mulf %get3A_499, %mul3A_501 : vector<16xf32>
        %mul3A_503 = arith.constant 2 : i32
        %mul3A_504 = arith.muli %scan3A_352, %mul3A_503 : i32
        %add3A_505 = arith.constant 1 : i32
        %add3A_506 = arith.addi %mul3A_504, %add3A_505 : i32
        %swap3A_507 = arith.index_cast %add3A_506 : i32 to index
        %swap3A_508 = arith.constant 48 : index
        %swap3A_509 = tpu.vector_load %arg11[%swap3A_507, %swap3A_508] {strides = array<i32>} : memref<128x64xf32, #tpu.memory_space<vmem>>, vector<1x16xf32>,
        %swap3A_510 = vector.shape_cast %swap3A_509 : vector<1x16xf32> to vector<16xf32>
        %swap3A_511 = vector.shape_cast %mul3A_502 : vector<16xf32> to vector<1x16xf32>
        tpu.vector_store %arg11[%swap3A_507, %swap3A_508], %swap3A_511 {strides = array<i32>} : memref<128x64xf32, #tpu.memory_space<vmem>>, vector<1x16xf32>,
        %scan3A_512 = arith.constant 0 : i32
        scf.yield %scan3A_512 : i32
      }
      %scan3A_253 = arith.constant 64 : i32
      %mul3A_254 = arith.constant 25600 : i32
      %mul3A_255 = arith.muli %add3A, %mul3A_254 : i32
      %mul3A_256 = arith.constant 128 : i32
      %mul3A_257 = arith.muli %add3A_240, %mul3A_256 : i32
      %add3A_258 = arith.addi %mul3A_255, %mul3A_257 : i32
      %dma_start3A_259 = arith.constant 0 : i32
      %dma_start3A_260 = tpu.memref_slice %arg4[%add3A_258, %dma_start3A_259] : memref<819200x128xf32, #tpu.memory_space<hbm>> -> memref<128x64xf32, #tpu.memory_space<hbm>>
      %dma_start3A_261 = arith.constant 0 : i32
      %dma_start3A_262 = tpu.memref_slice %arg4[%add3A_258, %dma_start3A_261] : memref<819200x128xf32, #tpu.memory_space<hbm>> -> memref<128x64xf32, #tpu.memory_space<hbm>>
      tpu.enqueue_dma source(%arg11 : memref<128x64xf32, #tpu.memory_space<vmem>>) target(%dma_start3A_262 : memref<128x64xf32, #tpu.memory_space<hbm>>) target_semaphore(%arg27 : memref<!tpu.dma_semaphore, #tpu.memory_space<semaphore_mem>>)
      %ge3A_263 = arith.constant 4 : i32
      %ge3A_264 = arith.cmpi sge, %add3A_240, %ge3A_263 : i32
      %convert_element_type3A_265 = arith.extui %ge3A_264 : i1 to i32
      %cond3A_266 = arith.constant 0 : i32
      %cond3A_267 = arith.cmpi ne, %convert_element_type3A_265, %cond3A_266 : i32
      scf.if %cond3A_267 {
        %dma_wait3A_352 = arith.constant 0 : i32
        %dma_wait3A_353 = arith.constant 0 : i32
        %dma_wait3A_354 = tpu.memref_slice %arg4[%dma_wait3A_352, %dma_wait3A_353] : memref<819200x128xf32, #tpu.memory_space<hbm>> -> memref<128x64xf32, #tpu.memory_space<hbm>>
        %dma_wait3A_355 = arith.constant 0 : i32
        %dma_wait3A_356 = arith.constant 0 : i32
        %dma_wait3A_357 = tpu.memref_slice %arg4[%dma_wait3A_355, %dma_wait3A_356] : memref<819200x128xf32, #tpu.memory_space<hbm>> -> memref<128x64xf32, #tpu.memory_space<hbm>>
        tpu.wait_dma2 semaphore(%arg23 : memref<!tpu.dma_semaphore, #tpu.memory_space<semaphore_mem>>) src(%arg7 : memref<128x64xf32, #tpu.memory_space<vmem>>) dst(%dma_wait3A_357 : memref<128x64xf32, #tpu.memory_space<hbm>>)
      } else {
      }
      %add3A_268 = arith.constant 4 : i32
      %add3A_269 = arith.addi %add3A_240, %add3A_268 : i32
      %lt3A_270 = arith.constant 200 : i32
      %lt3A_271 = arith.cmpi slt, %add3A_269, %lt3A_270 : i32
      %convert_element_type3A_272 = arith.extui %lt3A_271 : i1 to i32
      %cond3A_273 = arith.constant 0 : i32
      %cond3A_274 = arith.cmpi ne, %convert_element_type3A_272, %cond3A_273 : i32
      scf.if %cond3A_274 {
        %add3A_352 = arith.constant 4 : i32
        %add3A_353 = arith.addi %add3A_240, %add3A_352 : i32
        %mul3A_354 = arith.constant 128 : i32
        %mul3A_355 = arith.muli %add3A_353, %mul3A_354 : i32
        %dma_start3A_356 = tpu.memref_slice %arg5[%mul3A_355] : memref<25600xi32, #tpu.memory_space<vmem>> -> memref<128xi32, #tpu.memory_space<vmem>>
        %dma_start3A_357 = arith.constant 0 : i32
        %dma_start3A_358 = arith.constant 0 : i32
        %dma_start3A_359 = tpu.memref_slice %arg3[%dma_start3A_357, %dma_start3A_358] : memref<1000000x64xf32, #tpu.memory_space<hbm>> -> memref<1000000x64xf32, #tpu.memory_space<hbm>>
        tpu.enqueue_indirect_dma source(%dma_start3A_359 : memref<1000000x64xf32, #tpu.memory_space<hbm>>) target(%arg7 : memref<128x64xf32, #tpu.memory_space<vmem>>) offsets(%dma_start3A_356 : memref<128xi32, #tpu.memory_space<vmem>>) semaphore(%arg15 : memref<!tpu.dma_semaphore, #tpu.memory_space<semaphore_mem>>)
      } else {
      }
      %mul3A_275 = arith.constant 8 : i32
      %mul3A_276 = arith.muli %scan3A_49, %mul3A_275 : i32
      %add3A_277 = arith.constant 6 : i32
      %add3A_278 = arith.addi %mul3A_276, %add3A_277 : i32
      %dma_wait3A_279 = arith.constant 0 : i32
      %dma_wait3A_280 = arith.constant 0 : i32
      %dma_wait3A_281 = tpu.memref_slice %arg3[%dma_wait3A_279, %dma_wait3A_280] : memref<1000000x64xf32, #tpu.memory_space<hbm>> -> memref<128x64xf32, #tpu.memory_space<hbm>>
      %dma_wait3A_282 = arith.constant 0 : i32
      %dma_wait3A_283 = arith.constant 0 : i32
      %dma_wait3A_284 = tpu.memref_slice %arg3[%dma_wait3A_282, %dma_wait3A_283] : memref<1000000x64xf32, #tpu.memory_space<hbm>> -> memref<128x64xf32, #tpu.memory_space<hbm>>
      tpu.wait_dma2 semaphore(%arg20 : memref<!tpu.dma_semaphore, #tpu.memory_space<semaphore_mem>>) src(%dma_wait3A_284 : memref<128x64xf32, #tpu.memory_space<hbm>>) dst(%arg12 : memref<128x64xf32, #tpu.memory_space<vmem>>)
      %scan3A_285 = arith.constant 0 : i32
      %scan3A_286 = arith.constant 0 : i32
      %scan3A_287 = arith.constant 64 : i32
      %scan3A_288 = arith.addi %scan3A_286, %scan3A_287 : i32
      %scan3A_289 = arith.constant 1 : i32
      %scan3A_290 = scf.for %scan3A_352 = %scan3A_286 to %scan3A_288 step %scan3A_289 iter_args(%scan3A_353 = %scan3A_285) -> (i32)  : i32 {
        %mul3A_354 = arith.constant 2 : i32
        %mul3A_355 = arith.muli %scan3A_352, %mul3A_354 : i32
        %add3A_356 = arith.constant 0 : i32
        %add3A_357 = arith.addi %mul3A_355, %add3A_356 : i32
        %get3A = arith.index_cast %add3A_357 : i32 to index
        %get3A_358 = arith.constant 0 : index
        %get3A_359 = tpu.vector_load %arg12[%get3A, %get3A_358] {strides = array<i32>} : memref<128x64xf32, #tpu.memory_space<vmem>>, vector<1x16xf32>,
        %get3A_360 = vector.shape_cast %get3A_359 : vector<1x16xf32> to vector<16xf32>
        %mul3A_361 = arith.constant 8.000000e+00 : f32
        %mul3A_362 = vector.broadcast %mul3A_361 : f32 to vector<16xf32>
        %mul3A_363 = arith.mulf %get3A_360, %mul3A_362 : vector<16xf32>
        %mul3A_364 = arith.constant 2 : i32
        %mul3A_365 = arith.muli %scan3A_352, %mul3A_364 : i32
        %add3A_366 = arith.constant 0 : i32
        %add3A_367 = arith.addi %mul3A_365, %add3A_366 : i32
        %swap3A = arith.index_cast %add3A_367 : i32 to index
        %swap3A_368 = arith.constant 0 : index
        %swap3A_369 = tpu.vector_load %arg12[%swap3A, %swap3A_368] {strides = array<i32>} : memref<128x64xf32, #tpu.memory_space<vmem>>, vector<1x16xf32>,
        %swap3A_370 = vector.shape_cast %swap3A_369 : vector<1x16xf32> to vector<16xf32>
        %swap3A_371 = vector.shape_cast %mul3A_363 : vector<16xf32> to vector<1x16xf32>
        tpu.vector_store %arg12[%swap3A, %swap3A_368], %swap3A_371 {strides = array<i32>} : memref<128x64xf32, #tpu.memory_space<vmem>>, vector<1x16xf32>,
        %mul3A_372 = arith.constant 2 : i32
        %mul3A_373 = arith.muli %scan3A_352, %mul3A_372 : i32
        %add3A_374 = arith.constant 0 : i32
        %add3A_375 = arith.addi %mul3A_373, %add3A_374 : i32
        %get3A_376 = arith.index_cast %add3A_375 : i32 to index
        %get3A_377 = arith.constant 16 : index
        %get3A_378 = tpu.vector_load %arg12[%get3A_376, %get3A_377] {strides = array<i32>} : memref<128x64xf32, #tpu.memory_space<vmem>>, vector<1x16xf32>,
        %get3A_379 = vector.shape_cast %get3A_378 : vector<1x16xf32> to vector<16xf32>
        %mul3A_380 = arith.constant 8.000000e+00 : f32
        %mul3A_381 = vector.broadcast %mul3A_380 : f32 to vector<16xf32>
        %mul3A_382 = arith.mulf %get3A_379, %mul3A_381 : vector<16xf32>
        %mul3A_383 = arith.constant 2 : i32
        %mul3A_384 = arith.muli %scan3A_352, %mul3A_383 : i32
        %add3A_385 = arith.constant 0 : i32
        %add3A_386 = arith.addi %mul3A_384, %add3A_385 : i32
        %swap3A_387 = arith.index_cast %add3A_386 : i32 to index
        %swap3A_388 = arith.constant 16 : index
        %swap3A_389 = tpu.vector_load %arg12[%swap3A_387, %swap3A_388] {strides = array<i32>} : memref<128x64xf32, #tpu.memory_space<vmem>>, vector<1x16xf32>,
        %swap3A_390 = vector.shape_cast %swap3A_389 : vector<1x16xf32> to vector<16xf32>
        %swap3A_391 = vector.shape_cast %mul3A_382 : vector<16xf32> to vector<1x16xf32>
        tpu.vector_store %arg12[%swap3A_387, %swap3A_388], %swap3A_391 {strides = array<i32>} : memref<128x64xf32, #tpu.memory_space<vmem>>, vector<1x16xf32>,
        %mul3A_392 = arith.constant 2 : i32
        %mul3A_393 = arith.muli %scan3A_352, %mul3A_392 : i32
        %add3A_394 = arith.constant 0 : i32
        %add3A_395 = arith.addi %mul3A_393, %add3A_394 : i32
        %get3A_396 = arith.index_cast %add3A_395 : i32 to index
        %get3A_397 = arith.constant 32 : index
        %get3A_398 = tpu.vector_load %arg12[%get3A_396, %get3A_397] {strides = array<i32>} : memref<128x64xf32, #tpu.memory_space<vmem>>, vector<1x16xf32>,
        %get3A_399 = vector.shape_cast %get3A_398 : vector<1x16xf32> to vector<16xf32>
        %mul3A_400 = arith.constant 8.000000e+00 : f32
        %mul3A_401 = vector.broadcast %mul3A_400 : f32 to vector<16xf32>
        %mul3A_402 = arith.mulf %get3A_399, %mul3A_401 : vector<16xf32>
        %mul3A_403 = arith.constant 2 : i32
        %mul3A_404 = arith.muli %scan3A_352, %mul3A_403 : i32
        %add3A_405 = arith.constant 0 : i32
        %add3A_406 = arith.addi %mul3A_404, %add3A_405 : i32
        %swap3A_407 = arith.index_cast %add3A_406 : i32 to index
        %swap3A_408 = arith.constant 32 : index
        %swap3A_409 = tpu.vector_load %arg12[%swap3A_407, %swap3A_408] {strides = array<i32>} : memref<128x64xf32, #tpu.memory_space<vmem>>, vector<1x16xf32>,
        %swap3A_410 = vector.shape_cast %swap3A_409 : vector<1x16xf32> to vector<16xf32>
        %swap3A_411 = vector.shape_cast %mul3A_402 : vector<16xf32> to vector<1x16xf32>
        tpu.vector_store %arg12[%swap3A_407, %swap3A_408], %swap3A_411 {strides = array<i32>} : memref<128x64xf32, #tpu.memory_space<vmem>>, vector<1x16xf32>,
        %mul3A_412 = arith.constant 2 : i32
        %mul3A_413 = arith.muli %scan3A_352, %mul3A_412 : i32
        %add3A_414 = arith.constant 0 : i32
        %add3A_415 = arith.addi %mul3A_413, %add3A_414 : i32
        %get3A_416 = arith.index_cast %add3A_415 : i32 to index
        %get3A_417 = arith.constant 48 : index
        %get3A_418 = tpu.vector_load %arg12[%get3A_416, %get3A_417] {strides = array<i32>} : memref<128x64xf32, #tpu.memory_space<vmem>>, vector<1x16xf32>,
        %get3A_419 = vector.shape_cast %get3A_418 : vector<1x16xf32> to vector<16xf32>
        %mul3A_420 = arith.constant 8.000000e+00 : f32
        %mul3A_421 = vector.broadcast %mul3A_420 : f32 to vector<16xf32>
        %mul3A_422 = arith.mulf %get3A_419, %mul3A_421 : vector<16xf32>
        %mul3A_423 = arith.constant 2 : i32
        %mul3A_424 = arith.muli %scan3A_352, %mul3A_423 : i32
        %add3A_425 = arith.constant 0 : i32
        %add3A_426 = arith.addi %mul3A_424, %add3A_425 : i32
        %swap3A_427 = arith.index_cast %add3A_426 : i32 to index
        %swap3A_428 = arith.constant 48 : index
        %swap3A_429 = tpu.vector_load %arg12[%swap3A_427, %swap3A_428] {strides = array<i32>} : memref<128x64xf32, #tpu.memory_space<vmem>>, vector<1x16xf32>,
        %swap3A_430 = vector.shape_cast %swap3A_429 : vector<1x16xf32> to vector<16xf32>
        %swap3A_431 = vector.shape_cast %mul3A_422 : vector<16xf32> to vector<1x16xf32>
        tpu.vector_store %arg12[%swap3A_427, %swap3A_428], %swap3A_431 {strides = array<i32>} : memref<128x64xf32, #tpu.memory_space<vmem>>, vector<1x16xf32>,
        %mul3A_432 = arith.constant 2 : i32
        %mul3A_433 = arith.muli %scan3A_352, %mul3A_432 : i32
        %add3A_434 = arith.constant 1 : i32
        %add3A_435 = arith.addi %mul3A_433, %add3A_434 : i32
        %get3A_436 = arith.index_cast %add3A_435 : i32 to index
        %get3A_437 = arith.constant 0 : index
        %get3A_438 = tpu.vector_load %arg12[%get3A_436, %get3A_437] {strides = array<i32>} : memref<128x64xf32, #tpu.memory_space<vmem>>, vector<1x16xf32>,
        %get3A_439 = vector.shape_cast %get3A_438 : vector<1x16xf32> to vector<16xf32>
        %mul3A_440 = arith.constant 8.000000e+00 : f32
        %mul3A_441 = vector.broadcast %mul3A_440 : f32 to vector<16xf32>
        %mul3A_442 = arith.mulf %get3A_439, %mul3A_441 : vector<16xf32>
        %mul3A_443 = arith.constant 2 : i32
        %mul3A_444 = arith.muli %scan3A_352, %mul3A_443 : i32
        %add3A_445 = arith.constant 1 : i32
        %add3A_446 = arith.addi %mul3A_444, %add3A_445 : i32
        %swap3A_447 = arith.index_cast %add3A_446 : i32 to index
        %swap3A_448 = arith.constant 0 : index
        %swap3A_449 = tpu.vector_load %arg12[%swap3A_447, %swap3A_448] {strides = array<i32>} : memref<128x64xf32, #tpu.memory_space<vmem>>, vector<1x16xf32>,
        %swap3A_450 = vector.shape_cast %swap3A_449 : vector<1x16xf32> to vector<16xf32>
        %swap3A_451 = vector.shape_cast %mul3A_442 : vector<16xf32> to vector<1x16xf32>
        tpu.vector_store %arg12[%swap3A_447, %swap3A_448], %swap3A_451 {strides = array<i32>} : memref<128x64xf32, #tpu.memory_space<vmem>>, vector<1x16xf32>,
        %mul3A_452 = arith.constant 2 : i32
        %mul3A_453 = arith.muli %scan3A_352, %mul3A_452 : i32
        %add3A_454 = arith.constant 1 : i32
        %add3A_455 = arith.addi %mul3A_453, %add3A_454 : i32
        %get3A_456 = arith.index_cast %add3A_455 : i32 to index
        %get3A_457 = arith.constant 16 : index
        %get3A_458 = tpu.vector_load %arg12[%get3A_456, %get3A_457] {strides = array<i32>} : memref<128x64xf32, #tpu.memory_space<vmem>>, vector<1x16xf32>,
        %get3A_459 = vector.shape_cast %get3A_458 : vector<1x16xf32> to vector<16xf32>
        %mul3A_460 = arith.constant 8.000000e+00 : f32
        %mul3A_461 = vector.broadcast %mul3A_460 : f32 to vector<16xf32>
        %mul3A_462 = arith.mulf %get3A_459, %mul3A_461 : vector<16xf32>
        %mul3A_463 = arith.constant 2 : i32
        %mul3A_464 = arith.muli %scan3A_352, %mul3A_463 : i32
        %add3A_465 = arith.constant 1 : i32
        %add3A_466 = arith.addi %mul3A_464, %add3A_465 : i32
        %swap3A_467 = arith.index_cast %add3A_466 : i32 to index
        %swap3A_468 = arith.constant 16 : index
        %swap3A_469 = tpu.vector_load %arg12[%swap3A_467, %swap3A_468] {strides = array<i32>} : memref<128x64xf32, #tpu.memory_space<vmem>>, vector<1x16xf32>,
        %swap3A_470 = vector.shape_cast %swap3A_469 : vector<1x16xf32> to vector<16xf32>
        %swap3A_471 = vector.shape_cast %mul3A_462 : vector<16xf32> to vector<1x16xf32>
        tpu.vector_store %arg12[%swap3A_467, %swap3A_468], %swap3A_471 {strides = array<i32>} : memref<128x64xf32, #tpu.memory_space<vmem>>, vector<1x16xf32>,
        %mul3A_472 = arith.constant 2 : i32
        %mul3A_473 = arith.muli %scan3A_352, %mul3A_472 : i32
        %add3A_474 = arith.constant 1 : i32
        %add3A_475 = arith.addi %mul3A_473, %add3A_474 : i32
        %get3A_476 = arith.index_cast %add3A_475 : i32 to index
        %get3A_477 = arith.constant 32 : index
        %get3A_478 = tpu.vector_load %arg12[%get3A_476, %get3A_477] {strides = array<i32>} : memref<128x64xf32, #tpu.memory_space<vmem>>, vector<1x16xf32>,
        %get3A_479 = vector.shape_cast %get3A_478 : vector<1x16xf32> to vector<16xf32>
        %mul3A_480 = arith.constant 8.000000e+00 : f32
        %mul3A_481 = vector.broadcast %mul3A_480 : f32 to vector<16xf32>
        %mul3A_482 = arith.mulf %get3A_479, %mul3A_481 : vector<16xf32>
        %mul3A_483 = arith.constant 2 : i32
        %mul3A_484 = arith.muli %scan3A_352, %mul3A_483 : i32
        %add3A_485 = arith.constant 1 : i32
        %add3A_486 = arith.addi %mul3A_484, %add3A_485 : i32
        %swap3A_487 = arith.index_cast %add3A_486 : i32 to index
        %swap3A_488 = arith.constant 32 : index
        %swap3A_489 = tpu.vector_load %arg12[%swap3A_487, %swap3A_488] {strides = array<i32>} : memref<128x64xf32, #tpu.memory_space<vmem>>, vector<1x16xf32>,
        %swap3A_490 = vector.shape_cast %swap3A_489 : vector<1x16xf32> to vector<16xf32>
        %swap3A_491 = vector.shape_cast %mul3A_482 : vector<16xf32> to vector<1x16xf32>
        tpu.vector_store %arg12[%swap3A_487, %swap3A_488], %swap3A_491 {strides = array<i32>} : memref<128x64xf32, #tpu.memory_space<vmem>>, vector<1x16xf32>,
        %mul3A_492 = arith.constant 2 : i32
        %mul3A_493 = arith.muli %scan3A_352, %mul3A_492 : i32
        %add3A_494 = arith.constant 1 : i32
        %add3A_495 = arith.addi %mul3A_493, %add3A_494 : i32
        %get3A_496 = arith.index_cast %add3A_495 : i32 to index
        %get3A_497 = arith.constant 48 : index
        %get3A_498 = tpu.vector_load %arg12[%get3A_496, %get3A_497] {strides = array<i32>} : memref<128x64xf32, #tpu.memory_space<vmem>>, vector<1x16xf32>,
        %get3A_499 = vector.shape_cast %get3A_498 : vector<1x16xf32> to vector<16xf32>
        %mul3A_500 = arith.constant 8.000000e+00 : f32
        %mul3A_501 = vector.broadcast %mul3A_500 : f32 to vector<16xf32>
        %mul3A_502 = arith.mulf %get3A_499, %mul3A_501 : vector<16xf32>
        %mul3A_503 = arith.constant 2 : i32
        %mul3A_504 = arith.muli %scan3A_352, %mul3A_503 : i32
        %add3A_505 = arith.constant 1 : i32
        %add3A_506 = arith.addi %mul3A_504, %add3A_505 : i32
        %swap3A_507 = arith.index_cast %add3A_506 : i32 to index
        %swap3A_508 = arith.constant 48 : index
        %swap3A_509 = tpu.vector_load %arg12[%swap3A_507, %swap3A_508] {strides = array<i32>} : memref<128x64xf32, #tpu.memory_space<vmem>>, vector<1x16xf32>,
        %swap3A_510 = vector.shape_cast %swap3A_509 : vector<1x16xf32> to vector<16xf32>
        %swap3A_511 = vector.shape_cast %mul3A_502 : vector<16xf32> to vector<1x16xf32>
        tpu.vector_store %arg12[%swap3A_507, %swap3A_508], %swap3A_511 {strides = array<i32>} : memref<128x64xf32, #tpu.memory_space<vmem>>, vector<1x16xf32>,
        %scan3A_512 = arith.constant 0 : i32
        scf.yield %scan3A_512 : i32
      }
      %scan3A_291 = arith.constant 64 : i32
      %mul3A_292 = arith.constant 25600 : i32
      %mul3A_293 = arith.muli %add3A, %mul3A_292 : i32
      %mul3A_294 = arith.constant 128 : i32
      %mul3A_295 = arith.muli %add3A_278, %mul3A_294 : i32
      %add3A_296 = arith.addi %mul3A_293, %mul3A_295 : i32
      %dma_start3A_297 = arith.constant 0 : i32
      %dma_start3A_298 = tpu.memref_slice %arg4[%add3A_296, %dma_start3A_297] : memref<819200x128xf32, #tpu.memory_space<hbm>> -> memref<128x64xf32, #tpu.memory_space<hbm>>
      %dma_start3A_299 = arith.constant 0 : i32
      %dma_start3A_300 = tpu.memref_slice %arg4[%add3A_296, %dma_start3A_299] : memref<819200x128xf32, #tpu.memory_space<hbm>> -> memref<128x64xf32, #tpu.memory_space<hbm>>
      tpu.enqueue_dma source(%arg12 : memref<128x64xf32, #tpu.memory_space<vmem>>) target(%dma_start3A_300 : memref<128x64xf32, #tpu.memory_space<hbm>>) target_semaphore(%arg28 : memref<!tpu.dma_semaphore, #tpu.memory_space<semaphore_mem>>)
      %ge3A_301 = arith.constant 4 : i32
      %ge3A_302 = arith.cmpi sge, %add3A_278, %ge3A_301 : i32
      %convert_element_type3A_303 = arith.extui %ge3A_302 : i1 to i32
      %cond3A_304 = arith.constant 0 : i32
      %cond3A_305 = arith.cmpi ne, %convert_element_type3A_303, %cond3A_304 : i32
      scf.if %cond3A_305 {
        %dma_wait3A_352 = arith.constant 0 : i32
        %dma_wait3A_353 = arith.constant 0 : i32
        %dma_wait3A_354 = tpu.memref_slice %arg4[%dma_wait3A_352, %dma_wait3A_353] : memref<819200x128xf32, #tpu.memory_space<hbm>> -> memref<128x64xf32, #tpu.memory_space<hbm>>
        %dma_wait3A_355 = arith.constant 0 : i32
        %dma_wait3A_356 = arith.constant 0 : i32
        %dma_wait3A_357 = tpu.memref_slice %arg4[%dma_wait3A_355, %dma_wait3A_356] : memref<819200x128xf32, #tpu.memory_space<hbm>> -> memref<128x64xf32, #tpu.memory_space<hbm>>
        tpu.wait_dma2 semaphore(%arg24 : memref<!tpu.dma_semaphore, #tpu.memory_space<semaphore_mem>>) src(%arg8 : memref<128x64xf32, #tpu.memory_space<vmem>>) dst(%dma_wait3A_357 : memref<128x64xf32, #tpu.memory_space<hbm>>)
      } else {
      }
      %add3A_306 = arith.constant 4 : i32
      %add3A_307 = arith.addi %add3A_278, %add3A_306 : i32
      %lt3A_308 = arith.constant 200 : i32
      %lt3A_309 = arith.cmpi slt, %add3A_307, %lt3A_308 : i32
      %convert_element_type3A_310 = arith.extui %lt3A_309 : i1 to i32
      %cond3A_311 = arith.constant 0 : i32
      %cond3A_312 = arith.cmpi ne, %convert_element_type3A_310, %cond3A_311 : i32
      scf.if %cond3A_312 {
        %add3A_352 = arith.constant 4 : i32
        %add3A_353 = arith.addi %add3A_278, %add3A_352 : i32
        %mul3A_354 = arith.constant 128 : i32
        %mul3A_355 = arith.muli %add3A_353, %mul3A_354 : i32
        %dma_start3A_356 = tpu.memref_slice %arg5[%mul3A_355] : memref<25600xi32, #tpu.memory_space<vmem>> -> memref<128xi32, #tpu.memory_space<vmem>>
        %dma_start3A_357 = arith.constant 0 : i32
        %dma_start3A_358 = arith.constant 0 : i32
        %dma_start3A_359 = tpu.memref_slice %arg3[%dma_start3A_357, %dma_start3A_358] : memref<1000000x64xf32, #tpu.memory_space<hbm>> -> memref<1000000x64xf32, #tpu.memory_space<hbm>>
        tpu.enqueue_indirect_dma source(%dma_start3A_359 : memref<1000000x64xf32, #tpu.memory_space<hbm>>) target(%arg8 : memref<128x64xf32, #tpu.memory_space<vmem>>) offsets(%dma_start3A_356 : memref<128xi32, #tpu.memory_space<vmem>>) semaphore(%arg16 : memref<!tpu.dma_semaphore, #tpu.memory_space<semaphore_mem>>)
      } else {
      }
      %mul3A_313 = arith.constant 8 : i32
      %mul3A_314 = arith.muli %scan3A_49, %mul3A_313 : i32
      %add3A_315 = arith.constant 7 : i32
      %add3A_316 = arith.addi %mul3A_314, %add3A_315 : i32
      %dma_wait3A_317 = arith.constant 0 : i32
      %dma_wait3A_318 = arith.constant 0 : i32
      %dma_wait3A_319 = tpu.memref_slice %arg3[%dma_wait3A_317, %dma_wait3A_318] : memref<1000000x64xf32, #tpu.memory_space<hbm>> -> memref<128x64xf32, #tpu.memory_space<hbm>>
      %dma_wait3A_320 = arith.constant 0 : i32
      %dma_wait3A_321 = arith.constant 0 : i32
      %dma_wait3A_322 = tpu.memref_slice %arg3[%dma_wait3A_320, %dma_wait3A_321] : memref<1000000x64xf32, #tpu.memory_space<hbm>> -> memref<128x64xf32, #tpu.memory_space<hbm>>
      tpu.wait_dma2 semaphore(%arg21 : memref<!tpu.dma_semaphore, #tpu.memory_space<semaphore_mem>>) src(%dma_wait3A_322 : memref<128x64xf32, #tpu.memory_space<hbm>>) dst(%arg13 : memref<128x64xf32, #tpu.memory_space<vmem>>)
      %scan3A_323 = arith.constant 0 : i32
      %scan3A_324 = arith.constant 0 : i32
      %scan3A_325 = arith.constant 64 : i32
      %scan3A_326 = arith.addi %scan3A_324, %scan3A_325 : i32
      %scan3A_327 = arith.constant 1 : i32
      %scan3A_328 = scf.for %scan3A_352 = %scan3A_324 to %scan3A_326 step %scan3A_327 iter_args(%scan3A_353 = %scan3A_323) -> (i32)  : i32 {
        %mul3A_354 = arith.constant 2 : i32
        %mul3A_355 = arith.muli %scan3A_352, %mul3A_354 : i32
        %add3A_356 = arith.constant 0 : i32
        %add3A_357 = arith.addi %mul3A_355, %add3A_356 : i32
        %get3A = arith.index_cast %add3A_357 : i32 to index
        %get3A_358 = arith.constant 0 : index
        %get3A_359 = tpu.vector_load %arg13[%get3A, %get3A_358] {strides = array<i32>} : memref<128x64xf32, #tpu.memory_space<vmem>>, vector<1x16xf32>,
        %get3A_360 = vector.shape_cast %get3A_359 : vector<1x16xf32> to vector<16xf32>
        %mul3A_361 = arith.constant 8.000000e+00 : f32
        %mul3A_362 = vector.broadcast %mul3A_361 : f32 to vector<16xf32>
        %mul3A_363 = arith.mulf %get3A_360, %mul3A_362 : vector<16xf32>
        %mul3A_364 = arith.constant 2 : i32
        %mul3A_365 = arith.muli %scan3A_352, %mul3A_364 : i32
        %add3A_366 = arith.constant 0 : i32
        %add3A_367 = arith.addi %mul3A_365, %add3A_366 : i32
        %swap3A = arith.index_cast %add3A_367 : i32 to index
        %swap3A_368 = arith.constant 0 : index
        %swap3A_369 = tpu.vector_load %arg13[%swap3A, %swap3A_368] {strides = array<i32>} : memref<128x64xf32, #tpu.memory_space<vmem>>, vector<1x16xf32>,
        %swap3A_370 = vector.shape_cast %swap3A_369 : vector<1x16xf32> to vector<16xf32>
        %swap3A_371 = vector.shape_cast %mul3A_363 : vector<16xf32> to vector<1x16xf32>
        tpu.vector_store %arg13[%swap3A, %swap3A_368], %swap3A_371 {strides = array<i32>} : memref<128x64xf32, #tpu.memory_space<vmem>>, vector<1x16xf32>,
        %mul3A_372 = arith.constant 2 : i32
        %mul3A_373 = arith.muli %scan3A_352, %mul3A_372 : i32
        %add3A_374 = arith.constant 0 : i32
        %add3A_375 = arith.addi %mul3A_373, %add3A_374 : i32
        %get3A_376 = arith.index_cast %add3A_375 : i32 to index
        %get3A_377 = arith.constant 16 : index
        %get3A_378 = tpu.vector_load %arg13[%get3A_376, %get3A_377] {strides = array<i32>} : memref<128x64xf32, #tpu.memory_space<vmem>>, vector<1x16xf32>,
        %get3A_379 = vector.shape_cast %get3A_378 : vector<1x16xf32> to vector<16xf32>
        %mul3A_380 = arith.constant 8.000000e+00 : f32
        %mul3A_381 = vector.broadcast %mul3A_380 : f32 to vector<16xf32>
        %mul3A_382 = arith.mulf %get3A_379, %mul3A_381 : vector<16xf32>
        %mul3A_383 = arith.constant 2 : i32
        %mul3A_384 = arith.muli %scan3A_352, %mul3A_383 : i32
        %add3A_385 = arith.constant 0 : i32
        %add3A_386 = arith.addi %mul3A_384, %add3A_385 : i32
        %swap3A_387 = arith.index_cast %add3A_386 : i32 to index
        %swap3A_388 = arith.constant 16 : index
        %swap3A_389 = tpu.vector_load %arg13[%swap3A_387, %swap3A_388] {strides = array<i32>} : memref<128x64xf32, #tpu.memory_space<vmem>>, vector<1x16xf32>,
        %swap3A_390 = vector.shape_cast %swap3A_389 : vector<1x16xf32> to vector<16xf32>
        %swap3A_391 = vector.shape_cast %mul3A_382 : vector<16xf32> to vector<1x16xf32>
        tpu.vector_store %arg13[%swap3A_387, %swap3A_388], %swap3A_391 {strides = array<i32>} : memref<128x64xf32, #tpu.memory_space<vmem>>, vector<1x16xf32>,
        %mul3A_392 = arith.constant 2 : i32
        %mul3A_393 = arith.muli %scan3A_352, %mul3A_392 : i32
        %add3A_394 = arith.constant 0 : i32
        %add3A_395 = arith.addi %mul3A_393, %add3A_394 : i32
        %get3A_396 = arith.index_cast %add3A_395 : i32 to index
        %get3A_397 = arith.constant 32 : index
        %get3A_398 = tpu.vector_load %arg13[%get3A_396, %get3A_397] {strides = array<i32>} : memref<128x64xf32, #tpu.memory_space<vmem>>, vector<1x16xf32>,
        %get3A_399 = vector.shape_cast %get3A_398 : vector<1x16xf32> to vector<16xf32>
        %mul3A_400 = arith.constant 8.000000e+00 : f32
        %mul3A_401 = vector.broadcast %mul3A_400 : f32 to vector<16xf32>
        %mul3A_402 = arith.mulf %get3A_399, %mul3A_401 : vector<16xf32>
        %mul3A_403 = arith.constant 2 : i32
        %mul3A_404 = arith.muli %scan3A_352, %mul3A_403 : i32
        %add3A_405 = arith.constant 0 : i32
        %add3A_406 = arith.addi %mul3A_404, %add3A_405 : i32
        %swap3A_407 = arith.index_cast %add3A_406 : i32 to index
        %swap3A_408 = arith.constant 32 : index
        %swap3A_409 = tpu.vector_load %arg13[%swap3A_407, %swap3A_408] {strides = array<i32>} : memref<128x64xf32, #tpu.memory_space<vmem>>, vector<1x16xf32>,
        %swap3A_410 = vector.shape_cast %swap3A_409 : vector<1x16xf32> to vector<16xf32>
        %swap3A_411 = vector.shape_cast %mul3A_402 : vector<16xf32> to vector<1x16xf32>
        tpu.vector_store %arg13[%swap3A_407, %swap3A_408], %swap3A_411 {strides = array<i32>} : memref<128x64xf32, #tpu.memory_space<vmem>>, vector<1x16xf32>,
        %mul3A_412 = arith.constant 2 : i32
        %mul3A_413 = arith.muli %scan3A_352, %mul3A_412 : i32
        %add3A_414 = arith.constant 0 : i32
        %add3A_415 = arith.addi %mul3A_413, %add3A_414 : i32
        %get3A_416 = arith.index_cast %add3A_415 : i32 to index
        %get3A_417 = arith.constant 48 : index
        %get3A_418 = tpu.vector_load %arg13[%get3A_416, %get3A_417] {strides = array<i32>} : memref<128x64xf32, #tpu.memory_space<vmem>>, vector<1x16xf32>,
        %get3A_419 = vector.shape_cast %get3A_418 : vector<1x16xf32> to vector<16xf32>
        %mul3A_420 = arith.constant 8.000000e+00 : f32
        %mul3A_421 = vector.broadcast %mul3A_420 : f32 to vector<16xf32>
        %mul3A_422 = arith.mulf %get3A_419, %mul3A_421 : vector<16xf32>
        %mul3A_423 = arith.constant 2 : i32
        %mul3A_424 = arith.muli %scan3A_352, %mul3A_423 : i32
        %add3A_425 = arith.constant 0 : i32
        %add3A_426 = arith.addi %mul3A_424, %add3A_425 : i32
        %swap3A_427 = arith.index_cast %add3A_426 : i32 to index
        %swap3A_428 = arith.constant 48 : index
        %swap3A_429 = tpu.vector_load %arg13[%swap3A_427, %swap3A_428] {strides = array<i32>} : memref<128x64xf32, #tpu.memory_space<vmem>>, vector<1x16xf32>,
        %swap3A_430 = vector.shape_cast %swap3A_429 : vector<1x16xf32> to vector<16xf32>
        %swap3A_431 = vector.shape_cast %mul3A_422 : vector<16xf32> to vector<1x16xf32>
        tpu.vector_store %arg13[%swap3A_427, %swap3A_428], %swap3A_431 {strides = array<i32>} : memref<128x64xf32, #tpu.memory_space<vmem>>, vector<1x16xf32>,
        %mul3A_432 = arith.constant 2 : i32
        %mul3A_433 = arith.muli %scan3A_352, %mul3A_432 : i32
        %add3A_434 = arith.constant 1 : i32
        %add3A_435 = arith.addi %mul3A_433, %add3A_434 : i32
        %get3A_436 = arith.index_cast %add3A_435 : i32 to index
        %get3A_437 = arith.constant 0 : index
        %get3A_438 = tpu.vector_load %arg13[%get3A_436, %get3A_437] {strides = array<i32>} : memref<128x64xf32, #tpu.memory_space<vmem>>, vector<1x16xf32>,
        %get3A_439 = vector.shape_cast %get3A_438 : vector<1x16xf32> to vector<16xf32>
        %mul3A_440 = arith.constant 8.000000e+00 : f32
        %mul3A_441 = vector.broadcast %mul3A_440 : f32 to vector<16xf32>
        %mul3A_442 = arith.mulf %get3A_439, %mul3A_441 : vector<16xf32>
        %mul3A_443 = arith.constant 2 : i32
        %mul3A_444 = arith.muli %scan3A_352, %mul3A_443 : i32
        %add3A_445 = arith.constant 1 : i32
        %add3A_446 = arith.addi %mul3A_444, %add3A_445 : i32
        %swap3A_447 = arith.index_cast %add3A_446 : i32 to index
        %swap3A_448 = arith.constant 0 : index
        %swap3A_449 = tpu.vector_load %arg13[%swap3A_447, %swap3A_448] {strides = array<i32>} : memref<128x64xf32, #tpu.memory_space<vmem>>, vector<1x16xf32>,
        %swap3A_450 = vector.shape_cast %swap3A_449 : vector<1x16xf32> to vector<16xf32>
        %swap3A_451 = vector.shape_cast %mul3A_442 : vector<16xf32> to vector<1x16xf32>
        tpu.vector_store %arg13[%swap3A_447, %swap3A_448], %swap3A_451 {strides = array<i32>} : memref<128x64xf32, #tpu.memory_space<vmem>>, vector<1x16xf32>,
        %mul3A_452 = arith.constant 2 : i32
        %mul3A_453 = arith.muli %scan3A_352, %mul3A_452 : i32
        %add3A_454 = arith.constant 1 : i32
        %add3A_455 = arith.addi %mul3A_453, %add3A_454 : i32
        %get3A_456 = arith.index_cast %add3A_455 : i32 to index
        %get3A_457 = arith.constant 16 : index
        %get3A_458 = tpu.vector_load %arg13[%get3A_456, %get3A_457] {strides = array<i32>} : memref<128x64xf32, #tpu.memory_space<vmem>>, vector<1x16xf32>,
        %get3A_459 = vector.shape_cast %get3A_458 : vector<1x16xf32> to vector<16xf32>
        %mul3A_460 = arith.constant 8.000000e+00 : f32
        %mul3A_461 = vector.broadcast %mul3A_460 : f32 to vector<16xf32>
        %mul3A_462 = arith.mulf %get3A_459, %mul3A_461 : vector<16xf32>
        %mul3A_463 = arith.constant 2 : i32
        %mul3A_464 = arith.muli %scan3A_352, %mul3A_463 : i32
        %add3A_465 = arith.constant 1 : i32
        %add3A_466 = arith.addi %mul3A_464, %add3A_465 : i32
        %swap3A_467 = arith.index_cast %add3A_466 : i32 to index
        %swap3A_468 = arith.constant 16 : index
        %swap3A_469 = tpu.vector_load %arg13[%swap3A_467, %swap3A_468] {strides = array<i32>} : memref<128x64xf32, #tpu.memory_space<vmem>>, vector<1x16xf32>,
        %swap3A_470 = vector.shape_cast %swap3A_469 : vector<1x16xf32> to vector<16xf32>
        %swap3A_471 = vector.shape_cast %mul3A_462 : vector<16xf32> to vector<1x16xf32>
        tpu.vector_store %arg13[%swap3A_467, %swap3A_468], %swap3A_471 {strides = array<i32>} : memref<128x64xf32, #tpu.memory_space<vmem>>, vector<1x16xf32>,
        %mul3A_472 = arith.constant 2 : i32
        %mul3A_473 = arith.muli %scan3A_352, %mul3A_472 : i32
        %add3A_474 = arith.constant 1 : i32
        %add3A_475 = arith.addi %mul3A_473, %add3A_474 : i32
        %get3A_476 = arith.index_cast %add3A_475 : i32 to index
        %get3A_477 = arith.constant 32 : index
        %get3A_478 = tpu.vector_load %arg13[%get3A_476, %get3A_477] {strides = array<i32>} : memref<128x64xf32, #tpu.memory_space<vmem>>, vector<1x16xf32>,
        %get3A_479 = vector.shape_cast %get3A_478 : vector<1x16xf32> to vector<16xf32>
        %mul3A_480 = arith.constant 8.000000e+00 : f32
        %mul3A_481 = vector.broadcast %mul3A_480 : f32 to vector<16xf32>
        %mul3A_482 = arith.mulf %get3A_479, %mul3A_481 : vector<16xf32>
        %mul3A_483 = arith.constant 2 : i32
        %mul3A_484 = arith.muli %scan3A_352, %mul3A_483 : i32
        %add3A_485 = arith.constant 1 : i32
        %add3A_486 = arith.addi %mul3A_484, %add3A_485 : i32
        %swap3A_487 = arith.index_cast %add3A_486 : i32 to index
        %swap3A_488 = arith.constant 32 : index
        %swap3A_489 = tpu.vector_load %arg13[%swap3A_487, %swap3A_488] {strides = array<i32>} : memref<128x64xf32, #tpu.memory_space<vmem>>, vector<1x16xf32>,
        %swap3A_490 = vector.shape_cast %swap3A_489 : vector<1x16xf32> to vector<16xf32>
        %swap3A_491 = vector.shape_cast %mul3A_482 : vector<16xf32> to vector<1x16xf32>
        tpu.vector_store %arg13[%swap3A_487, %swap3A_488], %swap3A_491 {strides = array<i32>} : memref<128x64xf32, #tpu.memory_space<vmem>>, vector<1x16xf32>,
        %mul3A_492 = arith.constant 2 : i32
        %mul3A_493 = arith.muli %scan3A_352, %mul3A_492 : i32
        %add3A_494 = arith.constant 1 : i32
        %add3A_495 = arith.addi %mul3A_493, %add3A_494 : i32
        %get3A_496 = arith.index_cast %add3A_495 : i32 to index
        %get3A_497 = arith.constant 48 : index
        %get3A_498 = tpu.vector_load %arg13[%get3A_496, %get3A_497] {strides = array<i32>} : memref<128x64xf32, #tpu.memory_space<vmem>>, vector<1x16xf32>,
        %get3A_499 = vector.shape_cast %get3A_498 : vector<1x16xf32> to vector<16xf32>
        %mul3A_500 = arith.constant 8.000000e+00 : f32
        %mul3A_501 = vector.broadcast %mul3A_500 : f32 to vector<16xf32>
        %mul3A_502 = arith.mulf %get3A_499, %mul3A_501 : vector<16xf32>
        %mul3A_503 = arith.constant 2 : i32
        %mul3A_504 = arith.muli %scan3A_352, %mul3A_503 : i32
        %add3A_505 = arith.constant 1 : i32
        %add3A_506 = arith.addi %mul3A_504, %add3A_505 : i32
        %swap3A_507 = arith.index_cast %add3A_506 : i32 to index
        %swap3A_508 = arith.constant 48 : index
        %swap3A_509 = tpu.vector_load %arg13[%swap3A_507, %swap3A_508] {strides = array<i32>} : memref<128x64xf32, #tpu.memory_space<vmem>>, vector<1x16xf32>,
        %swap3A_510 = vector.shape_cast %swap3A_509 : vector<1x16xf32> to vector<16xf32>
        %swap3A_511 = vector.shape_cast %mul3A_502 : vector<16xf32> to vector<1x16xf32>
        tpu.vector_store %arg13[%swap3A_507, %swap3A_508], %swap3A_511 {strides = array<i32>} : memref<128x64xf32, #tpu.memory_space<vmem>>, vector<1x16xf32>,
        %scan3A_512 = arith.constant 0 : i32
        scf.yield %scan3A_512 : i32
      }
      %scan3A_329 = arith.constant 64 : i32
      %mul3A_330 = arith.constant 25600 : i32
      %mul3A_331 = arith.muli %add3A, %mul3A_330 : i32
      %mul3A_332 = arith.constant 128 : i32
      %mul3A_333 = arith.muli %add3A_316, %mul3A_332 : i32
      %add3A_334 = arith.addi %mul3A_331, %mul3A_333 : i32
      %dma_start3A_335 = arith.constant 0 : i32
      %dma_start3A_336 = tpu.memref_slice %arg4[%add3A_334, %dma_start3A_335] : memref<819200x128xf32, #tpu.memory_space<hbm>> -> memref<128x64xf32, #tpu.memory_space<hbm>>
      %dma_start3A_337 = arith.constant 0 : i32
      %dma_start3A_338 = tpu.memref_slice %arg4[%add3A_334, %dma_start3A_337] : memref<819200x128xf32, #tpu.memory_space<hbm>> -> memref<128x64xf32, #tpu.memory_space<hbm>>
      tpu.enqueue_dma source(%arg13 : memref<128x64xf32, #tpu.memory_space<vmem>>) target(%dma_start3A_338 : memref<128x64xf32, #tpu.memory_space<hbm>>) target_semaphore(%arg29 : memref<!tpu.dma_semaphore, #tpu.memory_space<semaphore_mem>>)
      %ge3A_339 = arith.constant 4 : i32
      %ge3A_340 = arith.cmpi sge, %add3A_316, %ge3A_339 : i32
      %convert_element_type3A_341 = arith.extui %ge3A_340 : i1 to i32
      %cond3A_342 = arith.constant 0 : i32
      %cond3A_343 = arith.cmpi ne, %convert_element_type3A_341, %cond3A_342 : i32
      scf.if %cond3A_343 {
        %dma_wait3A_352 = arith.constant 0 : i32
        %dma_wait3A_353 = arith.constant 0 : i32
        %dma_wait3A_354 = tpu.memref_slice %arg4[%dma_wait3A_352, %dma_wait3A_353] : memref<819200x128xf32, #tpu.memory_space<hbm>> -> memref<128x64xf32, #tpu.memory_space<hbm>>
        %dma_wait3A_355 = arith.constant 0 : i32
        %dma_wait3A_356 = arith.constant 0 : i32
        %dma_wait3A_357 = tpu.memref_slice %arg4[%dma_wait3A_355, %dma_wait3A_356] : memref<819200x128xf32, #tpu.memory_space<hbm>> -> memref<128x64xf32, #tpu.memory_space<hbm>>
        tpu.wait_dma2 semaphore(%arg25 : memref<!tpu.dma_semaphore, #tpu.memory_space<semaphore_mem>>) src(%arg9 : memref<128x64xf32, #tpu.memory_space<vmem>>) dst(%dma_wait3A_357 : memref<128x64xf32, #tpu.memory_space<hbm>>)
      } else {
      }
      %add3A_344 = arith.constant 4 : i32
      %add3A_345 = arith.addi %add3A_316, %add3A_344 : i32
      %lt3A_346 = arith.constant 200 : i32
      %lt3A_347 = arith.cmpi slt, %add3A_345, %lt3A_346 : i32
      %convert_element_type3A_348 = arith.extui %lt3A_347 : i1 to i32
      %cond3A_349 = arith.constant 0 : i32
      %cond3A_350 = arith.cmpi ne, %convert_element_type3A_348, %cond3A_349 : i32
      scf.if %cond3A_350 {
        %add3A_352 = arith.constant 4 : i32
        %add3A_353 = arith.addi %add3A_316, %add3A_352 : i32
        %mul3A_354 = arith.constant 128 : i32
        %mul3A_355 = arith.muli %add3A_353, %mul3A_354 : i32
        %dma_start3A_356 = tpu.memref_slice %arg5[%mul3A_355] : memref<25600xi32, #tpu.memory_space<vmem>> -> memref<128xi32, #tpu.memory_space<vmem>>
        %dma_start3A_357 = arith.constant 0 : i32
        %dma_start3A_358 = arith.constant 0 : i32
        %dma_start3A_359 = tpu.memref_slice %arg3[%dma_start3A_357, %dma_start3A_358] : memref<1000000x64xf32, #tpu.memory_space<hbm>> -> memref<1000000x64xf32, #tpu.memory_space<hbm>>
        tpu.enqueue_indirect_dma source(%dma_start3A_359 : memref<1000000x64xf32, #tpu.memory_space<hbm>>) target(%arg9 : memref<128x64xf32, #tpu.memory_space<vmem>>) offsets(%dma_start3A_356 : memref<128xi32, #tpu.memory_space<vmem>>) semaphore(%arg17 : memref<!tpu.dma_semaphore, #tpu.memory_space<semaphore_mem>>)
      } else {
      }
      %scan3A_351 = arith.constant 0 : i32
      scf.yield %scan3A_351 : i32
    }
    %scan3A_25 = arith.constant 25 : i32
    %dma_wait3A = arith.constant 0 : i32
    %dma_wait3A_26 = arith.constant 0 : i32
    %dma_wait3A_27 = tpu.memref_slice %arg4[%dma_wait3A, %dma_wait3A_26] : memref<819200x128xf32, #tpu.memory_space<hbm>> -> memref<128x64xf32, #tpu.memory_space<hbm>>
    %dma_wait3A_28 = arith.constant 0 : i32
    %dma_wait3A_29 = arith.constant 0 : i32
    %dma_wait3A_30 = tpu.memref_slice %arg4[%dma_wait3A_28, %dma_wait3A_29] : memref<819200x128xf32, #tpu.memory_space<hbm>> -> memref<128x64xf32, #tpu.memory_space<hbm>>
    tpu.wait_dma2 semaphore(%arg26 : memref<!tpu.dma_semaphore, #tpu.memory_space<semaphore_mem>>) src(%arg10 : memref<128x64xf32, #tpu.memory_space<vmem>>) dst(%dma_wait3A_30 : memref<128x64xf32, #tpu.memory_space<hbm>>)
    %dma_wait3A_31 = arith.constant 0 : i32
    %dma_wait3A_32 = arith.constant 0 : i32
    %dma_wait3A_33 = tpu.memref_slice %arg4[%dma_wait3A_31, %dma_wait3A_32] : memref<819200x128xf32, #tpu.memory_space<hbm>> -> memref<128x64xf32, #tpu.memory_space<hbm>>
    %dma_wait3A_34 = arith.constant 0 : i32
    %dma_wait3A_35 = arith.constant 0 : i32
    %dma_wait3A_36 = tpu.memref_slice %arg4[%dma_wait3A_34, %dma_wait3A_35] : memref<819200x128xf32, #tpu.memory_space<hbm>> -> memref<128x64xf32, #tpu.memory_space<hbm>>
    tpu.wait_dma2 semaphore(%arg27 : memref<!tpu.dma_semaphore, #tpu.memory_space<semaphore_mem>>) src(%arg11 : memref<128x64xf32, #tpu.memory_space<vmem>>) dst(%dma_wait3A_36 : memref<128x64xf32, #tpu.memory_space<hbm>>)
    %dma_wait3A_37 = arith.constant 0 : i32
    %dma_wait3A_38 = arith.constant 0 : i32
    %dma_wait3A_39 = tpu.memref_slice %arg4[%dma_wait3A_37, %dma_wait3A_38] : memref<819200x128xf32, #tpu.memory_space<hbm>> -> memref<128x64xf32, #tpu.memory_space<hbm>>
    %dma_wait3A_40 = arith.constant 0 : i32
    %dma_wait3A_41 = arith.constant 0 : i32
    %dma_wait3A_42 = tpu.memref_slice %arg4[%dma_wait3A_40, %dma_wait3A_41] : memref<819200x128xf32, #tpu.memory_space<hbm>> -> memref<128x64xf32, #tpu.memory_space<hbm>>
    tpu.wait_dma2 semaphore(%arg28 : memref<!tpu.dma_semaphore, #tpu.memory_space<semaphore_mem>>) src(%arg12 : memref<128x64xf32, #tpu.memory_space<vmem>>) dst(%dma_wait3A_42 : memref<128x64xf32, #tpu.memory_space<hbm>>)
    %dma_wait3A_43 = arith.constant 0 : i32
    %dma_wait3A_44 = arith.constant 0 : i32
    %dma_wait3A_45 = tpu.memref_slice %arg4[%dma_wait3A_43, %dma_wait3A_44] : memref<819200x128xf32, #tpu.memory_space<hbm>> -> memref<128x64xf32, #tpu.memory_space<hbm>>
    %dma_wait3A_46 = arith.constant 0 : i32
    %dma_wait3A_47 = arith.constant 0 : i32
    %dma_wait3A_48 = tpu.memref_slice %arg4[%dma_wait3A_46, %dma_wait3A_47] : memref<819200x128xf32, #tpu.memory_space<hbm>> -> memref<128x64xf32, #tpu.memory_space<hbm>>
    tpu.wait_dma2 semaphore(%arg29 : memref<!tpu.dma_semaphore, #tpu.memory_space<semaphore_mem>>) src(%arg13 : memref<128x64xf32, #tpu.memory_space<vmem>>) dst(%dma_wait3A_48 : memref<128x64xf32, #tpu.memory_space<hbm>>)
    return
  }
}

</mosaic_0001>

<sc_bundles>
// kernel: kernel.3.cloned.1.call-start
scs
__scs_entry_jumppad:
0x0: {  	(pc) =	sbr.rel $0x88, $3  }
0x1: {  	(tag) =	ssettag $0x0;
	lr =	simm.s32 $0x1  }
0x2: {  	[smem:$0x3F9F] =	sst lr;
	_ =	strace $0xD0000000  }
0x3: {  	_ = 	snop  }
0x4: {  	_ = 	snop  }
0x5: {  	_ = 	snop  }
0x6: {  	_ = 	snop  }
0x7: {  	_ = 	snop  }
__scs_overlays_trampoline_lowered:
0x8: {  	[smem:$0x3FAE] =	sst s0  }
0x9: {  	[smem:$0x3FAF] =	sst s1  }
0xa: {  	[smem:$0x3FB0] =	sst s2  }
0xb: {  	[smem:$0x3FB1] =	sst s3  }
0xc: {  	[smem:$0x3FB2] =	sst s4  }
0xd: {  	[smem:$0x3FB3] =	sst s5  }
0xe: {  	[smem:$0x3FB4] =	sst s6  }
0xf: {  	[smem:$0x3FB5] =	sst s7  }
0x10: {  	[smem:$0x3FB6] =	sst s8  }
0x11: {  	[smem:$0x3FB7] =	sst s9;
	s0 =	simm.s32 @!p0 $0x0  }
0x12: {  	s1 =	sld [smem:$0x3F9D];
	s0 =	simm.s32 @p0 $0x1  }
0x13: {  	[smem:$0x3FB8] =	sst s0;
	s0 =	simm.s32 @!p1 $0x0  }
0x14: {  	s2 =	sld [smem:$0x3F9C];
	s0 =	simm.s32 @p1 $0x1  }
0x15: {  	[smem:$0x3FB9] =	sst s0;
	s0 =	simm.s32 @!p2 $0x0  }
0x16: {  	s3 =	sld [smem:$0x3FDB];
	s0 =	simm.s32 @p2 $0x1  }
0x17: {  	s4 =	simm.s32 $0x1BF5;
	[smem:$0x3FBB] =	sst s0  }
0x18: {  	s0 =	sld [smem:$0x3F9E];
	_ =	swait.ge [sflag:s4], $0x0  }
0x19: {  	s7 =	sld [smem:$0x3F9F]  }
0x1a: {  	s8 =	sadd.s32 $0xFFFFE003, lr  }
0x1b: {  	s9 =	sadd.s32 $0xFFFFFEF7, lr;
	s5 =	simm.s32 $0xFFFFFFFF;
	p2 =	slt.u32 s8, $0xFFFFF086  }
0x1c: {  	p1 =	slt.u32 s9, $0xF7A;
	s5 =	simm.s32 @!p2 $0x0  }
0x1d: {  	s5 =	simm.s32 @p1 $0x1;
	p0 =	seq.s32 s7, s2  }
0x1e: {  	s7 =	smul.u32 @!p0 $0xF7A, s2;
	p2 =	seq.s32 @!p0 s5, $0x0  }
0x1f: {  	s9 =	smul.u32 $0xF7A, s1;
	s8 =	simm.s32 @!p0 $0x1BF5;
	p2 =	por !p2, p0  }
0x20: {  	[sflag:s8] =	ssyncset.s32 @!p0 $0xFFFFF086;
	s6 =	sadd.s32 @!p0 s3, s7;
	s7 =	simm.s32 @!p0 $0x108  }
0x21: {  	s3 =	sadd.s32 s3, s9;
	s6 =	sadd.s32 @!p0 $0x88, s6;
	s7 =	simm.s32 @p2 $0x1082  }
0x22: {  	[simem:s7], [sflag:s8] =	dma.local @!p0 [hbm:s6], $0xF7A  }
0x23: {  	s9 =	sor.u32 $0xD0000000, s2;
	s6 =	simm.s32 $0x108;
	_ =	swait.ge @!p0 [sflag:s8], $0x0  }
0x24: {  	s3 =	sadd.s32 $0x88, s3;
	s6 =	simm.s32 @!p1 $0x1082;
	[sflag:s4] =	ssyncset.s32 $0xFFFFF086  }
0x25: {  	[simem:s6], [sflag:s4] =	dma.local [hbm:s3], $0xF7A  }
0x26: {  	[smem:$0x3F9F] =	sst s1;
	(tag) =	ssettag s2;
	_ =	strace s9  }
0x27: {  	s1 =	sld [smem:$0x3FAF]  }
0x28: {  	s2 =	sld [smem:$0x3FB0]  }
0x29: {  	s4 =	sld [smem:$0x3FB2]  }
0x2a: {  	p0 =	seq.s32 s5, $0x0;
	s5 =	sld [smem:$0x3FB3]  }
0x2b: {  	s6 =	sld [smem:$0x3FB4]  }
0x2c: {  	s7 =	sld [smem:$0x3FB5]  }
0x2d: {  	s3 =	simm.s32 $0x108;
	s8 =	sld [smem:$0x3FB6]  }
0x2e: {  	s3 =	simm.s32 @!p0 $0x1082;
	s9 =	sld [smem:$0x3FB7]  }
0x2f: {  	lr =	sadd.s32 s0, s3;
	s0 =	sld [smem:$0x3FAE]  }
0x30: {  	s3 =	sld [smem:$0x3FB1]  }
0x31: {  	[smem:$0x3FBA] =	sst s10  }
0x32: {  	s10 =	sld [smem:$0x3FB8];
	_ =	sdelay $0x3  }
0x33: {  	p0 =	seq.s32 s10, $0x1;
	s10 =	sld [smem:$0x3FBA];
	_ =	sdelay $0x3  }
0x34: {  	[smem:$0x3FBA] =	sst s10  }
0x35: {  	s10 =	sld [smem:$0x3FB9];
	_ =	sdelay $0x3  }
0x36: {  	p1 =	seq.s32 s10, $0x1;
	s10 =	sld [smem:$0x3FBA];
	_ =	sdelay $0x3  }
0x37: {  	[smem:$0x3FBA] =	sst s10  }
0x38: {  	s10 =	sld [smem:$0x3FBB]  }
0x39: {  	_ = 	snop;
	(pc) =	sbr.ind lr, $3  }
0x3a: {  	_ = 	snop  }
0x3b: {  	_ = 	snop  }
0x3c: {  	p2 =	seq.s32 s10, $0x1;
	s10 =	sld [smem:$0x3FBA]  }
0x3d: {  	_ =	shalt  }
0x3e: {  	_ =	shalt  }
0x3f: {  	_ =	shalt  }
0x40: {  	_ =	shalt  }
0x41: {  	_ =	shalt  }
0x42: {  	_ =	shalt  }
0x43: {  	_ =	shalt  }
0x44: {  	_ =	shalt  }
0x45: {  	_ =	shalt  }
0x46: {  	_ =	shalt  }
0x47: {  	_ =	shalt  }
0x48: {  	_ =	shalt  }
0x49: {  	_ =	shalt  }
0x4a: {  	_ =	shalt  }
0x4b: {  	_ =	shalt  }
0x4c: {  	_ =	shalt  }
0x4d: {  	_ =	shalt  }
0x4e: {  	_ =	shalt  }
0x4f: {  	_ =	shalt  }
0x50: {  	_ =	shalt  }
0x51: {  	_ =	shalt  }
0x52: {  	_ =	shalt  }
0x53: {  	_ =	shalt  }
0x54: {  	_ =	shalt  }
0x55: {  	_ =	shalt  }
0x56: {  	_ =	shalt  }
0x57: {  	_ =	shalt  }
0x58: {  	_ =	shalt  }
0x59: {  	_ =	shalt  }
0x5a: {  	_ =	shalt  }
0x5b: {  	_ =	shalt  }
0x5c: {  	_ =	shalt  }
0x5d: {  	_ =	shalt  }
0x5e: {  	_ =	shalt  }
0x5f: {  	_ =	shalt  }
0x60: {  	_ =	shalt  }
0x61: {  	_ =	shalt  }
0x62: {  	_ =	shalt  }
0x63: {  	_ =	shalt  }
0x64: {  	_ =	shalt  }
0x65: {  	_ =	shalt  }
0x66: {  	_ =	shalt  }
0x67: {  	_ =	shalt  }
0x68: {  	_ =	shalt  }
0x69: {  	_ =	shalt  }
0x6a: {  	_ =	shalt  }
0x6b: {  	_ =	shalt  }
0x6c: {  	_ =	shalt  }
0x6d: {  	_ =	shalt  }
0x6e: {  	_ =	shalt  }
0x6f: {  	_ =	shalt  }
0x70: {  	_ =	shalt  }
0x71: {  	_ =	shalt  }
0x72: {  	_ =	shalt  }
0x73: {  	_ =	shalt  }
0x74: {  	_ =	shalt  }
0x75: {  	_ =	shalt  }
0x76: {  	_ =	shalt  }
0x77: {  	_ =	shalt  }
0x78: {  	_ =	shalt  }
0x79: {  	_ =	shalt  }
0x7a: {  	_ =	shalt  }
0x7b: {  	_ =	shalt  }
0x7c: {  	_ =	shalt  }
0x7d: {  	_ =	shalt  }
0x7e: {  	_ =	shalt  }
0x7f: {  	_ =	shalt  }
0x80: {  	_ =	shalt  }
0x81: {  	_ =	shalt  }
0x82: {  	_ =	shalt  }
0x83: {  	_ =	shalt  }
0x84: {  	_ =	shalt  }
0x85: {  	_ =	shalt  }
0x86: {  	_ =	shalt  }
0x87: {  	_ =	shalt  }
.Lfunc_end0:
.L_simem_size_0:
called_computation.1_lowered:
.L_overlay_start_0:
0x88: {  	s2 =	sld [smem:$0x3FD9]  }
0x89: {  	s3 =	sld [smem:$0x3FFE];
	_ =	sdelay $0x1  }
0x8a: {  	s1 =	srdreg.scid  }
0x8b: {  	s0 =	sand.u32 $0x1, s1  }
0x8c: {  	s17 =	sshll.u32 s0, $0xA;
	s2 =	sadd.s32 s3, s2  }
0x8d: {  	s2 =	sadd.s32 s2, s17  }
0x8e: {  	[smem:$0x3FC6] =	sst s2  }
0x8f: {  	_ = 	snop  }
0x90: {  	s2 =	sld [smem:$0x3FD0];
	(tm) =	ssettm $0x1  }
0x91: {  	s18 =	sld [smem:$0x3FFB];
	_ =	sdelay $0x3  }
0x92: {  	_ =	strace s18  }
0x93: {  	s3 =	sld [smem:$0x3FFC];
	_ =	sdelay $0x3  }
0x94: {  	_ =	strace s3  }
0x95: {  	s3 =	sld [smem:$0x3FFD];
	_ =	sdelay $0x3  }
0x96: {  	_ =	strace s3  }
0x97: {  	_ =	strace $0x8FFFFFFF  }
0x98: {  	s19 =	sld [smem:$0x3FDB];
	_ =	sdelay $0x1  }
0x99: {  	s4 =	simm.s32 $_scs_section_size  }
0x9a: {  	s5 =	simm.s32 $_size__tile_overlayer_lowered;
	s6 =	simm.s32 $_tile_overlayer_lowered  }
0x9b: {  	s22 =	simm.s32 $0x1BFF;
	s21 =	sshll.u32 s6, $0x1;
	s3 =	sadd.s32 s4, s19  }
0x9c: {  	s7 =	simm.s32 $0x0;
	s20 =	sshll.u32 s5, $0x1;
	s5 =	sadd.s32 s21, s3  }
0x9d: {  	[timem:s7], [sflag:s22] =	dma.local [hbm:s5], s20  }
0x9e: {  	_ =	swait.ge [sflag:s22], s20  }
0x9f: {  	s4 =	ssub.s32 $0x0, s20;
	[sflag:s22] =	ssyncset.done $0x0  }
0xa0: {  	[sflag:s22] =	ssyncadd.s32 s4;
	_ =	sdelay $0x1  }
0xa1: {  	s23 =	simm.s32 $0x1B8B  }
0xa2: {  	_ =	swait.ge [sflag:s23], $0x1  }
0xa3: {  	[sflag:s23] =	ssyncset.done $0x0  }
0xa4: {  	s25 =	simm.s32 $0x1B8E;
	s24 =	sld [smem:$0x3FFE];
	[sflag:s23] =	ssyncadd.s32 $0xFFFFFFFF  }
0xa5: {  	s26 =	simm.s32 $execute0_lowered;
	[smem:$0x3FD2] =	sst s25  }
0xa6: {  	s5 =	sshll.u32 s26, $0x1;
	_ =	strace $0x80000046;
	[dreg:$0x1] =	wrdreg $0xFFFFFFFF  }
0xa7: {  	s28 =	simm.s32 $_size_execute0_lowered;
	s3 =	sadd.s32 s3, s5;
	[dreg:$0x0] =	wrdreg $0x0  }
0xa8: {  	s5 =	sshll.u32 s28, $0x1;
	[dreg:$0x2] =	wrdreg s3  }
0xa9: {  	[dreg:$0x3] =	wrdreg s5  }
0xaa: {  	[dreg:$0x4] =	wrdreg $0xC0  }
0xab: {  	_ =	task [dreg:s7], $0x5FFFF  }
0xac: {  	[dreg:$0x1] =	wrdreg $0xFFFFFFFF  }
0xad: {  	[dreg:$0x0] =	wrdreg $0x60  }
0xae: {  	[dreg:$0x2] =	wrdreg s2  }
0xaf: {  	[dreg:$0x3] =	wrdreg s24  }
0xb0: {  	[dreg:$0x4] =	wrdreg $0x9  }
0xb1: {  	_ =	task.clear_ibuf [dreg:s7], $0x5FFFF;
	_ =	strace $0x90000046  }
0xb2: {  	s29 =	simm.s32 $0x9;
	_ =	strace $0x80000048  }
0xb3: {  	_ =	swait.ge [sflag:s29], $0x1  }
0xb4: {  	[sflag:s29] =	ssyncadd.s32 $0xFFFFFFFF  }
0xb5: {  	_ =	strace $0x90000048  }
0xb6: {  	_ =	sfence  }
0xb7: {  	s30 =	sld [smem:$0x0];
	_ =	sdelay $0x2  }
0xb8: {  	s31 =	sshll.u32 s1, $0xD;
	s1 =	sshrl.u32 s1, $0x2  }
0xb9: {  	s3 =	sand.u32 $0x4000, s31;
	s1 =	sadd.s32 s1, s30  }
0xba: {  	s0 =	sor.u32 s3, s0;
	s1 =	sshll.u32 s1, $0x11  }
0xbb: {  	s0 =	sor.u32 s1, s0  }
0xbc: {  	s0 =	sadd.s32 $0x8F2B, s0  }
0xbd: {  	[sflag:s0] =	ssyncadd.remote.s32 $0x1  }
0xbe: {  	_ =	sfence.sel $0xFFFF  }
0xbf: {  	[dreg:$0x0] =	wrdreg $0xFFFFFFFF;
	(pc) =	sbr.abs _section_cstart, $3  }
0xc0: {  	[dreg:$0x1] =	wrdreg $0xFFFFFFFF  }
0xc1: {  	_ =	task.clear_ibuf [dreg:s7], $0x2FFFF;
	_ =	strace $0x9FFFFFFF  }
0xc2: {  	(tm) =	ssettm $0x7FFFFFFF  }
0xc3: {  	_ =	shalt  }
tec
execute0_lowered:
.L_overlay_start_1:
0x0: {  	(tag) =	ssettag $0x1  }
0x1: {  	s0 =	rddreg [dreg:$0x0]  }
0x2: {  	s1 =	srdreg.scid;
	s3 =	stileid.u32  }
0x3: {  	s2 =	rddreg [dreg:$0x1];
	s4 =	simm.s32 $0x0;
	s12 =	simm.s32 $0x80  }
0x4: {  	s18 =	simm.s32 $0xC400;
	s19 =	simm.s32 $0x1;
	s20 =	simm.s32 $0x40  }
0x5: {  	s21 =	simm.s32 $0xE400;
	s28 =	simm.s32 $0x14400;
	s29 =	simm.s32 $0x5  }
0x6: {  	s30 =	simm.s32 $0x9;
	s31 =	simm.s32 $0x6;
	s15 =	simm.s32 $0xB  }
0x7: {  	s17 =	simm.s32 $0x8;
	s1 =	sand.u32 $0x1, s1;
	s3 =	sshll.u32 s3, $0x1  }
0x8: {  	s8 =	simm.s32 $0x0;
	[smem:$0x7FF] =	sst s4;
	s3 =	sor.u32 s1, s3  }
0x9: {  	s4 =	sadd.s32 $0xF42E00, s2;
	s5 =	sadd.s32 $0xA00, s2;
	s6 =	smul.u32 $0xC80, s3  }
0xa: {  	s2 =	simm.s32 $0xC;
	s1 =	ssub.s32 $0x2, s1;
	s3 =	smul.u32 $0x320000, s3  }
0xb: {  	_ =	strace $0x80000047;
	s22 =	sshrl.u32 s1, $0x1;
	s0 =	sadd.s32 s0, s6  }
0xc: {  	s1 =	ssub.s32 s1, s22;
	s23 =	sor.u32 $0x4000, s3;
	[dreg:$0x3] =	wrdreg s0  }
.Ltmp0:
0xd: {  	s24 =	sor.u32 $0x8000, s3;
	[dreg:$0x4] =	wrdreg s23;
	(pc) =	sbr.rel .LBB2_1-.Ltmp0, $4  }
0xe: {  	s22 =	simm.s32 $0x2;
	s25 =	sor.u32 $0xC000, s3;
	[dreg:$0x5] =	wrdreg s24  }
0xf: {  	s26 =	smax.u32 s1, $0x1;
	s1 =	simm.s32 $0xA;
	[dreg:$0x6] =	wrdreg s25  }
0x10: {  	[dreg:$0x7] =	wrdreg s26;
	s23 =	simm.s32 $0x10400;
	s24 =	simm.s32 $0x3  }
0x11: {  	s25 =	simm.s32 $0x12400;
	s26 =	simm.s32 $0x4;
	s0 =	simm.s32 $0x7  }
.LBB2_20:
0x12: {  	s6 =	simm.s32 $0xD  }
0x13: {  	_ =	swait.ge [sflag:s6], $0x2000  }
0x14: {  	[sflag:s6] =	ssyncset.done $0x0  }
0x15: {  	s13 =	simm.s32 $0xE;
	[sflag:s6] =	ssyncadd.s32 $0xFFFFE000  }
0x16: {  	_ =	swait.ge [sflag:s13], $0x2000  }
0x17: {  	[sflag:s13] =	ssyncset.done $0x0  }
0x18: {  	s14 =	simm.s32 $0xF;
	[sflag:s13] =	ssyncadd.s32 $0xFFFFE000  }
0x19: {  	_ =	swait.ge [sflag:s14], $0x2000  }
0x1a: {  	[sflag:s14] =	ssyncset.done $0x0  }
0x1b: {  	s7 =	simm.s32 $0x10;
	[sflag:s14] =	ssyncadd.s32 $0xFFFFE000  }
0x1c: {  	_ =	swait.ge [sflag:s7], $0x2000  }
0x1d: {  	s8 =	rddreg [dreg:$0x8]  }
0x1e: {  	s16 =	rddreg [dreg:$0x7];
	s8 =	sadd.s32 $0x1, s8  }
0x1f: {  	p0 =	sne.s32 s8, s16  }
.Ltmp1:
0x20: {  	_ = 	snop;
	(pc) =	sbr.rel @!p0 .LBB2_21-.Ltmp1, $3  }
0x21: {  	_ =	sdelay $0x1  }
0x22: {  	[sflag:s7] =	ssyncset.done $0x0  }
0x23: {  	[sflag:s7] =	ssyncadd.s32 $0xFFFFE000  }
.LBB2_1:
0x24: {  	[dreg:$0x8] =	wrdreg s8  }
0x25: {  	s6 =	simm.s32 $0x0;
	s7 =	rddreg [dreg:$0x3];
	s9 =	simm.s32 $0x11  }
0x26: {  	[tilespmem:s6], [sflag:$0x11] =	stream.linear.gather [hbm4b:s7+s6], $0x6400, $0x38;
	[tilespmem:$0x16400] =	vst v63  }
0x27: {  	_ =	swait.ge [sflag:s9], $0x6400  }
0x28: {  	[sflag:s9] =	ssyncset.done $0x0  }
0x29: {  	s10 =	simm.s32 $0x6400;
	[sflag:s9] =	ssyncadd.s32 $0xFFFF9C00  }
0x2a: {  	[tilespmem:s10], [sflag:$0x1] =	stream.indirect.gather [hbm4b:s4+s12], $0x40, s6, s12, $0xb8;
	[tilespmem:$0x16400] =	vst v63  }
0x2b: {  	s11 =	simm.s32 $0x8400  }
0x2c: {  	[tilespmem:s11], [sflag:$0x2] =	stream.indirect.gather [hbm4b:s4+s12], $0x40, s12, s12, $0xb8;
	[tilespmem:$0x16400] =	vst v63  }
0x2d: {  	s13 =	simm.s32 $0x100;
	s14 =	simm.s32 $0xA400  }
0x2e: {  	[tilespmem:s14], [sflag:$0x3] =	stream.indirect.gather [hbm4b:s4+s12], $0x40, s13, s12, $0xb8;
	[tilespmem:$0x16400] =	vst v63  }
0x2f: {  	s16 =	simm.s32 $0x180;
	s11 =	simm.s32 $0x0  }
0x30: {  	[tilespmem:s18], [sflag:$0x4] =	stream.indirect.gather [hbm4b:s4+s12], $0x40, s16, s12, $0xb8;
	[tilespmem:$0x16400] =	vst v63  }
.LBB2_2:
0x31: {  	_ =	swait.ge [sflag:s19], $0x2000  }
0x32: {  	[sflag:s19] =	ssyncset.done $0x0  }
0x33: {  	s6 =	simm.s32 $0x0;
	[sflag:s19] =	ssyncadd.s32 $0xFFFFE000  }
0x34: {  	v3 =	vld [tilespmem:s6+$0x6400]  }
0x35: {  	v5 =	vld [tilespmem:s6+$0x6410]  }
0x36: {  	v4 =	vld [tilespmem:s6+$0x6420]  }
0x37: {  	v2 =	vld [tilespmem:s6+$0x6430]  }
0x38: {  	v0 =	vld [tilespmem:s6+$0x6440]  }
0x39: {  	v1 =	vld [tilespmem:s6+$0x6450];
	v6 =	vmul.f32 $8.000000000e+00, v3  }
0x3a: {  	s7 =	simm.s32 $0x200;
	v5 =	vmul.f32 $8.000000000e+00, v5;
	v3 =	vld [tilespmem:s6+$0x6460]  }
.LBB2_3:
0x3b: {  	s8 =	sshra.s32 s7, $0x2;
	p0 =	sne.s32 s7, $0x7E00;
	[tilespmem:s6+$0x6400] =	vst v6;
	v4 =	vmul.f32 $8.000000000e+00, v4;
	v6 =	vld [tilespmem:s6+$0x6470]  }
0x3c: {  	v7 =	vld [tilespmem:s8+$0x6400];
	[tilespmem:s6+$0x6410] =	vst v5;
	v2 =	vmul.f32 $8.000000000e+00, v2  }
0x3d: {  	v5 =	vld [tilespmem:s8+$0x6410];
	[tilespmem:s6+$0x6420] =	vst v4;
	v0 =	vmul.f32 $8.000000000e+00, v0  }
.Ltmp2:
0x3e: {  	v4 =	vld [tilespmem:s8+$0x6420];
	[tilespmem:s6+$0x6430] =	vst v2;
	v1 =	vmul.f32 $8.000000000e+00, v1;
	(pc) =	sbr.rel @p0 .LBB2_3-.Ltmp2, $4  }
0x3f: {  	v2 =	vld [tilespmem:s8+$0x6430];
	[tilespmem:s6+$0x6440] =	vst v0;
	v3 =	vmul.f32 $8.000000000e+00, v3  }
0x40: {  	v0 =	vld [tilespmem:s8+$0x6440];
	[tilespmem:s6+$0x6450] =	vst v1;
	v8 =	vmul.f32 $8.000000000e+00, v6  }
0x41: {  	v6 =	vmul.f32 $8.000000000e+00, v7;
	v1 =	vld [tilespmem:s8+$0x6450];
	[tilespmem:s6+$0x6460] =	vst v3  }
0x42: {  	s7 =	sadd.s32 $0x200, s7;
	v5 =	vmul.f32 $8.000000000e+00, v5;
	v3 =	vld [tilespmem:s8+$0x6460];
	[tilespmem:s6+$0x6470] =	vst v8;
	s6 =	smov.u32 s8  }
0x43: {  	[tilespmem:s6+$0x6400] =	vst v6;
	v4 =	vmul.f32 $8.000000000e+00, v4;
	v6 =	vld [tilespmem:s6+$0x6470]  }
0x44: {  	[tilespmem:s6+$0x6410] =	vst v5;
	v2 =	vmul.f32 $8.000000000e+00, v2  }
0x45: {  	[tilespmem:s6+$0x6420] =	vst v4;
	v0 =	vmul.f32 $8.000000000e+00, v0  }
0x46: {  	[tilespmem:s6+$0x6430] =	vst v2;
	v1 =	vmul.f32 $8.000000000e+00, v1  }
0x47: {  	s13 =	sshll.u32 s11, $0x11;
	[tilespmem:s6+$0x6440] =	vst v0;
	v0 =	vmul.f32 $8.000000000e+00, v3  }
0x48: {  	s7 =	sadd.s32 s3, s13;
	[tilespmem:s6+$0x6450] =	vst v1;
	v1 =	vmul.f32 $8.000000000e+00, v6  }
0x49: {  	s8 =	simm.s32 $0x6400;
	p0 =	seq.s32 s11, $0x0;
	s7 =	sshrl.u32 s7, $0x3;
	[tilespmem:s6+$0x6460] =	vst v0  }
0x4a: {  	s16 =	sshll.u32 s11, $0x3;
	s7 =	sadd.s32 s5, s7;
	[tilespmem:s6+$0x6470] =	vst v1;
	s6 =	simm.s32 @!p0 $0xD  }
0x4b: {  	[hbm4b:s7+s20] =	stream.strided.scatter [tilespmem:s8], [sflag:$0x9], $0x2000, s12, s20, $0x38;
	[tilespmem:$0x16400] =	vst v63  }
0x4c: {  	s14 =	sor.u32 $0x4, s16;
	_ =	swait.ge @!p0 [sflag:s6], $0x2000  }
0x4d: {  	s9 =	sshll.u32 s14, $0x7;
	[sflag:s6] =	ssyncset.done @!p0 $0x0  }
0x4e: {  	s10 =	sand.u32 $0x3FFFFF80, s9;
	[sflag:s6] =	ssyncadd.s32 @!p0 $0xFFFFE000  }
0x4f: {  	[tilespmem:s21], [sflag:$0x5] =	stream.indirect.gather [hbm4b:s4+s12], $0x40, s10, s12, $0xb8;
	[tilespmem:$0x16400] =	vst v63  }
0x50: {  	_ =	swait.ge [sflag:s22], $0x2000  }
0x51: {  	[sflag:s22] =	ssyncset.done $0x0  }
0x52: {  	s6 =	simm.s32 $0x0;
	[sflag:s22] =	ssyncadd.s32 $0xFFFFE000  }
0x53: {  	v3 =	vld [tilespmem:s6+$0x8400]  }
0x54: {  	v5 =	vld [tilespmem:s6+$0x8410]  }
0x55: {  	v4 =	vld [tilespmem:s6+$0x8420]  }
0x56: {  	v2 =	vld [tilespmem:s6+$0x8430]  }
0x57: {  	v0 =	vld [tilespmem:s6+$0x8440]  }
0x58: {  	v1 =	vld [tilespmem:s6+$0x8450];
	v6 =	vmul.f32 $8.000000000e+00, v3  }
0x59: {  	s7 =	simm.s32 $0x200;
	v5 =	vmul.f32 $8.000000000e+00, v5;
	v3 =	vld [tilespmem:s6+$0x8460]  }
.LBB2_5:
0x5a: {  	s8 =	sshra.s32 s7, $0x2;
	p1 =	sne.s32 s7, $0x7E00;
	[tilespmem:s6+$0x8400] =	vst v6;
	v4 =	vmul.f32 $8.000000000e+00, v4;
	v6 =	vld [tilespmem:s6+$0x8470]  }
0x5b: {  	v7 =	vld [tilespmem:s8+$0x8400];
	[tilespmem:s6+$0x8410] =	vst v5;
	v2 =	vmul.f32 $8.000000000e+00, v2  }
0x5c: {  	v5 =	vld [tilespmem:s8+$0x8410];
	[tilespmem:s6+$0x8420] =	vst v4;
	v0 =	vmul.f32 $8.000000000e+00, v0  }
.Ltmp3:
0x5d: {  	v4 =	vld [tilespmem:s8+$0x8420];
	[tilespmem:s6+$0x8430] =	vst v2;
	v1 =	vmul.f32 $8.000000000e+00, v1;
	(pc) =	sbr.rel @p1 .LBB2_5-.Ltmp3, $4  }
0x5e: {  	v2 =	vld [tilespmem:s8+$0x8430];
	[tilespmem:s6+$0x8440] =	vst v0;
	v3 =	vmul.f32 $8.000000000e+00, v3  }
0x5f: {  	v0 =	vld [tilespmem:s8+$0x8440];
	[tilespmem:s6+$0x8450] =	vst v1;
	v8 =	vmul.f32 $8.000000000e+00, v6  }
0x60: {  	v6 =	vmul.f32 $8.000000000e+00, v7;
	v1 =	vld [tilespmem:s8+$0x8450];
	[tilespmem:s6+$0x8460] =	vst v3  }
0x61: {  	s7 =	sadd.s32 $0x200, s7;
	v5 =	vmul.f32 $8.000000000e+00, v5;
	v3 =	vld [tilespmem:s8+$0x8460];
	[tilespmem:s6+$0x8470] =	vst v8;
	s6 =	smov.u32 s8  }
0x62: {  	[tilespmem:s6+$0x8400] =	vst v6;
	v4 =	vmul.f32 $8.000000000e+00, v4;
	v6 =	vld [tilespmem:s6+$0x8470]  }
0x63: {  	[tilespmem:s6+$0x8410] =	vst v5;
	v2 =	vmul.f32 $8.000000000e+00, v2  }
0x64: {  	[tilespmem:s6+$0x8420] =	vst v4;
	v0 =	vmul.f32 $8.000000000e+00, v0  }
0x65: {  	[tilespmem:s6+$0x8430] =	vst v2;
	v1 =	vmul.f32 $8.000000000e+00, v1  }
0x66: {  	s7 =	rddreg [dreg:$0x4];
	[tilespmem:s6+$0x8440] =	vst v0;
	v0 =	vmul.f32 $8.000000000e+00, v3  }
0x67: {  	s7 =	sadd.s32 s13, s7;
	[tilespmem:s6+$0x8450] =	vst v1;
	v1 =	vmul.f32 $8.000000000e+00, v6  }
0x68: {  	s7 =	sshrl.u32 s7, $0x3;
	[tilespmem:s6+$0x8460] =	vst v0  }
0x69: {  	s9 =	simm.s32 $0x8400;
	s8 =	sadd.s32 s5, s7;
	s7 =	simm.s32 @!p0 $0xE;
	[tilespmem:s6+$0x8470] =	vst v1  }
0x6a: {  	[hbm4b:s8+s20] =	stream.strided.scatter [tilespmem:s9], [sflag:$0xA], $0x2000, s12, s20, $0x38;
	[tilespmem:$0x16400] =	vst v63  }
0x6b: {  	s6 =	sor.u32 $0x5, s16;
	_ =	swait.ge @!p0 [sflag:s7], $0x2000  }
0x6c: {  	s8 =	sshll.u32 s6, $0x7;
	[sflag:s7] =	ssyncset.done @!p0 $0x0  }
0x6d: {  	s10 =	sand.u32 $0x3FFFFF80, s8;
	[sflag:s7] =	ssyncadd.s32 @!p0 $0xFFFFE000  }
0x6e: {  	[tilespmem:s23], [sflag:$0x6] =	stream.indirect.gather [hbm4b:s4+s12], $0x40, s10, s12, $0xb8;
	[tilespmem:$0x16400] =	vst v63  }
0x6f: {  	_ =	swait.ge [sflag:s24], $0x2000  }
0x70: {  	[sflag:s24] =	ssyncset.done $0x0  }
0x71: {  	s10 =	simm.s32 $0x0;
	[sflag:s24] =	ssyncadd.s32 $0xFFFFE000  }
0x72: {  	v3 =	vld [tilespmem:s10+$0xA400]  }
0x73: {  	v5 =	vld [tilespmem:s10+$0xA410]  }
0x74: {  	v4 =	vld [tilespmem:s10+$0xA420]  }
0x75: {  	v2 =	vld [tilespmem:s10+$0xA430]  }
0x76: {  	v0 =	vld [tilespmem:s10+$0xA440]  }
0x77: {  	v1 =	vld [tilespmem:s10+$0xA450];
	v6 =	vmul.f32 $8.000000000e+00, v3  }
0x78: {  	s7 =	simm.s32 $0x200;
	v5 =	vmul.f32 $8.000000000e+00, v5;
	v3 =	vld [tilespmem:s10+$0xA460]  }
.LBB2_7:
0x79: {  	s8 =	sshra.s32 s7, $0x2;
	p1 =	sne.s32 s7, $0x7E00;
	[tilespmem:s10+$0xA400] =	vst v6;
	v4 =	vmul.f32 $8.000000000e+00, v4;
	v6 =	vld [tilespmem:s10+$0xA470]  }
0x7a: {  	v7 =	vld [tilespmem:s8+$0xA400];
	[tilespmem:s10+$0xA410] =	vst v5;
	v2 =	vmul.f32 $8.000000000e+00, v2  }
0x7b: {  	v5 =	vld [tilespmem:s8+$0xA410];
	[tilespmem:s10+$0xA420] =	vst v4;
	v0 =	vmul.f32 $8.000000000e+00, v0  }
.Ltmp4:
0x7c: {  	v4 =	vld [tilespmem:s8+$0xA420];
	[tilespmem:s10+$0xA430] =	vst v2;
	v1 =	vmul.f32 $8.000000000e+00, v1;
	(pc) =	sbr.rel @p1 .LBB2_7-.Ltmp4, $4  }
0x7d: {  	v2 =	vld [tilespmem:s8+$0xA430];
	[tilespmem:s10+$0xA440] =	vst v0;
	v3 =	vmul.f32 $8.000000000e+00, v3  }
0x7e: {  	v0 =	vld [tilespmem:s8+$0xA440];
	[tilespmem:s10+$0xA450] =	vst v1;
	v8 =	vmul.f32 $8.000000000e+00, v6  }
0x7f: {  	v6 =	vmul.f32 $8.000000000e+00, v7;
	v1 =	vld [tilespmem:s8+$0xA450];
	[tilespmem:s10+$0xA460] =	vst v3  }
0x80: {  	s7 =	sadd.s32 $0x200, s7;
	v5 =	vmul.f32 $8.000000000e+00, v5;
	v3 =	vld [tilespmem:s8+$0xA460];
	[tilespmem:s10+$0xA470] =	vst v8;
	s10 =	smov.u32 s8  }
0x81: {  	[tilespmem:s10+$0xA400] =	vst v6;
	v4 =	vmul.f32 $8.000000000e+00, v4;
	v6 =	vld [tilespmem:s10+$0xA470]  }
0x82: {  	[tilespmem:s10+$0xA410] =	vst v5;
	v2 =	vmul.f32 $8.000000000e+00, v2  }
0x83: {  	[tilespmem:s10+$0xA420] =	vst v4;
	v0 =	vmul.f32 $8.000000000e+00, v0  }
0x84: {  	[tilespmem:s10+$0xA430] =	vst v2;
	v1 =	vmul.f32 $8.000000000e+00, v1  }
0x85: {  	s7 =	rddreg [dreg:$0x5];
	[tilespmem:s10+$0xA440] =	vst v0;
	v0 =	vmul.f32 $8.000000000e+00, v3  }
0x86: {  	s7 =	sadd.s32 s13, s7;
	[tilespmem:s10+$0xA450] =	vst v1;
	v1 =	vmul.f32 $8.000000000e+00, v6  }
0x87: {  	s7 =	sshrl.u32 s7, $0x3;
	[tilespmem:s10+$0xA460] =	vst v0  }
0x88: {  	s8 =	simm.s32 $0xA400;
	s7 =	sadd.s32 s5, s7;
	[tilespmem:s10+$0xA470] =	vst v1  }
0x89: {  	[hbm4b:s7+s20] =	stream.strided.scatter [tilespmem:s8], [sflag:$0xB], $0x2000, s12, s20, $0x38;
	[tilespmem:$0x16400] =	vst v63  }
0x8a: {  	s7 =	simm.s32 @!p0 $0xF  }
0x8b: {  	s10 =	sor.u32 $0x6, s16;
	_ =	swait.ge @!p0 [sflag:s7], $0x2000  }
0x8c: {  	s9 =	sshll.u32 s10, $0x7;
	[sflag:s7] =	ssyncset.done @!p0 $0x0  }
0x8d: {  	s9 =	sand.u32 $0x3FFFFF80, s9;
	[sflag:s7] =	ssyncadd.s32 @!p0 $0xFFFFE000  }
0x8e: {  	[tilespmem:s25], [sflag:$0x7] =	stream.indirect.gather [hbm4b:s4+s12], $0x40, s9, s12, $0xb8;
	[tilespmem:$0x16400] =	vst v63  }
0x8f: {  	_ =	swait.ge [sflag:s26], $0x2000  }
0x90: {  	[sflag:s26] =	ssyncset.done $0x0  }
0x91: {  	s7 =	simm.s32 $0x0;
	[sflag:s26] =	ssyncadd.s32 $0xFFFFE000  }
0x92: {  	v3 =	vld [tilespmem:s7+$0xC400]  }
0x93: {  	v5 =	vld [tilespmem:s7+$0xC410]  }
0x94: {  	v4 =	vld [tilespmem:s7+$0xC420]  }
0x95: {  	v2 =	vld [tilespmem:s7+$0xC430]  }
0x96: {  	v0 =	vld [tilespmem:s7+$0xC440]  }
0x97: {  	v1 =	vld [tilespmem:s7+$0xC450];
	v6 =	vmul.f32 $8.000000000e+00, v3  }
0x98: {  	s8 =	simm.s32 $0x200;
	v5 =	vmul.f32 $8.000000000e+00, v5;
	v3 =	vld [tilespmem:s7+$0xC460]  }
.LBB2_9:
0x99: {  	s9 =	sshra.s32 s8, $0x2;
	p1 =	sne.s32 s8, $0x7E00;
	[tilespmem:s7+$0xC400] =	vst v6;
	v4 =	vmul.f32 $8.000000000e+00, v4;
	v6 =	vld [tilespmem:s7+$0xC470]  }
0x9a: {  	v7 =	vld [tilespmem:s9+$0xC400];
	[tilespmem:s7+$0xC410] =	vst v5;
	v2 =	vmul.f32 $8.000000000e+00, v2  }
0x9b: {  	v5 =	vld [tilespmem:s9+$0xC410];
	[tilespmem:s7+$0xC420] =	vst v4;
	v0 =	vmul.f32 $8.000000000e+00, v0  }
.Ltmp5:
0x9c: {  	v4 =	vld [tilespmem:s9+$0xC420];
	[tilespmem:s7+$0xC430] =	vst v2;
	v1 =	vmul.f32 $8.000000000e+00, v1;
	(pc) =	sbr.rel @p1 .LBB2_9-.Ltmp5, $4  }
0x9d: {  	v2 =	vld [tilespmem:s9+$0xC430];
	[tilespmem:s7+$0xC440] =	vst v0;
	v3 =	vmul.f32 $8.000000000e+00, v3  }
0x9e: {  	v0 =	vld [tilespmem:s9+$0xC440];
	[tilespmem:s7+$0xC450] =	vst v1;
	v8 =	vmul.f32 $8.000000000e+00, v6  }
0x9f: {  	v6 =	vmul.f32 $8.000000000e+00, v7;
	v1 =	vld [tilespmem:s9+$0xC450];
	[tilespmem:s7+$0xC460] =	vst v3  }
0xa0: {  	s8 =	sadd.s32 $0x200, s8;
	v5 =	vmul.f32 $8.000000000e+00, v5;
	v3 =	vld [tilespmem:s9+$0xC460];
	[tilespmem:s7+$0xC470] =	vst v8;
	s7 =	smov.u32 s9  }
0xa1: {  	[tilespmem:s7+$0xC400] =	vst v6;
	v4 =	vmul.f32 $8.000000000e+00, v4;
	v6 =	vld [tilespmem:s7+$0xC470]  }
0xa2: {  	[tilespmem:s7+$0xC410] =	vst v5;
	v2 =	vmul.f32 $8.000000000e+00, v2  }
0xa3: {  	[tilespmem:s7+$0xC420] =	vst v4;
	v0 =	vmul.f32 $8.000000000e+00, v0  }
0xa4: {  	[tilespmem:s7+$0xC430] =	vst v2;
	v1 =	vmul.f32 $8.000000000e+00, v1  }
0xa5: {  	s8 =	rddreg [dreg:$0x6];
	[tilespmem:s7+$0xC440] =	vst v0;
	v0 =	vmul.f32 $8.000000000e+00, v3  }
0xa6: {  	s8 =	sadd.s32 s13, s8;
	[tilespmem:s7+$0xC450] =	vst v1;
	v1 =	vmul.f32 $8.000000000e+00, v6  }
0xa7: {  	s8 =	sshrl.u32 s8, $0x3;
	[tilespmem:s7+$0xC460] =	vst v0  }
0xa8: {  	s8 =	sadd.s32 s5, s8;
	[tilespmem:s7+$0xC470] =	vst v1;
	s7 =	simm.s32 @!p0 $0x10  }
0xa9: {  	[hbm4b:s8+s20] =	stream.strided.scatter [tilespmem:s18], [sflag:$0xC], $0x2000, s12, s20, $0x38;
	[tilespmem:$0x16400] =	vst v63  }
0xaa: {  	s13 =	sor.u32 $0x7, s16;
	_ =	swait.ge @!p0 [sflag:s7], $0x2000  }
0xab: {  	s9 =	sshll.u32 s13, $0x7;
	[sflag:s7] =	ssyncset.done @!p0 $0x0  }
0xac: {  	s16 =	sand.u32 $0x3FFFFF80, s9;
	[sflag:s7] =	ssyncadd.s32 @!p0 $0xFFFFE000  }
0xad: {  	[tilespmem:s28], [sflag:$0x8] =	stream.indirect.gather [hbm4b:s4+s12], $0x40, s16, s12, $0xb8;
	[tilespmem:$0x16400] =	vst v63  }
0xae: {  	_ =	swait.ge [sflag:s29], $0x2000  }
0xaf: {  	[sflag:s29] =	ssyncset.done $0x0  }
0xb0: {  	s16 =	simm.s32 $0x0;
	[sflag:s29] =	ssyncadd.s32 $0xFFFFE000  }
0xb1: {  	v3 =	vld [tilespmem:s16+$0xE400]  }
0xb2: {  	v5 =	vld [tilespmem:s16+$0xE410]  }
0xb3: {  	v4 =	vld [tilespmem:s16+$0xE420]  }
0xb4: {  	v2 =	vld [tilespmem:s16+$0xE430]  }
0xb5: {  	v0 =	vld [tilespmem:s16+$0xE440]  }
0xb6: {  	v1 =	vld [tilespmem:s16+$0xE450];
	v6 =	vmul.f32 $8.000000000e+00, v3  }
0xb7: {  	s7 =	simm.s32 $0x200;
	v5 =	vmul.f32 $8.000000000e+00, v5;
	v3 =	vld [tilespmem:s16+$0xE460]  }
.LBB2_11:
0xb8: {  	s8 =	sshra.s32 s7, $0x2;
	p0 =	sne.s32 s7, $0x7E00;
	[tilespmem:s16+$0xE400] =	vst v6;
	v4 =	vmul.f32 $8.000000000e+00, v4;
	v6 =	vld [tilespmem:s16+$0xE470]  }
0xb9: {  	v7 =	vld [tilespmem:s8+$0xE400];
	[tilespmem:s16+$0xE410] =	vst v5;
	v2 =	vmul.f32 $8.000000000e+00, v2  }
0xba: {  	v5 =	vld [tilespmem:s8+$0xE410];
	[tilespmem:s16+$0xE420] =	vst v4;
	v0 =	vmul.f32 $8.000000000e+00, v0  }
.Ltmp6:
0xbb: {  	v4 =	vld [tilespmem:s8+$0xE420];
	[tilespmem:s16+$0xE430] =	vst v2;
	v1 =	vmul.f32 $8.000000000e+00, v1;
	(pc) =	sbr.rel @p0 .LBB2_11-.Ltmp6, $4  }
0xbc: {  	v2 =	vld [tilespmem:s8+$0xE430];
	[tilespmem:s16+$0xE440] =	vst v0;
	v3 =	vmul.f32 $8.000000000e+00, v3  }
0xbd: {  	v0 =	vld [tilespmem:s8+$0xE440];
	[tilespmem:s16+$0xE450] =	vst v1;
	v8 =	vmul.f32 $8.000000000e+00, v6  }
0xbe: {  	v6 =	vmul.f32 $8.000000000e+00, v7;
	v1 =	vld [tilespmem:s8+$0xE450];
	[tilespmem:s16+$0xE460] =	vst v3  }
0xbf: {  	s7 =	sadd.s32 $0x200, s7;
	v5 =	vmul.f32 $8.000000000e+00, v5;
	v3 =	vld [tilespmem:s8+$0xE460];
	[tilespmem:s16+$0xE470] =	vst v8;
	s16 =	smov.u32 s8  }
0xc0: {  	[tilespmem:s16+$0xE400] =	vst v6;
	v4 =	vmul.f32 $8.000000000e+00, v4;
	v6 =	vld [tilespmem:s16+$0xE470]  }
0xc1: {  	[tilespmem:s16+$0xE410] =	vst v5;
	v2 =	vmul.f32 $8.000000000e+00, v2  }
0xc2: {  	[tilespmem:s16+$0xE420] =	vst v4;
	v0 =	vmul.f32 $8.000000000e+00, v0  }
0xc3: {  	[tilespmem:s16+$0xE430] =	vst v2;
	v1 =	vmul.f32 $8.000000000e+00, v1  }
0xc4: {  	s7 =	sshll.u32 s14, $0xE;
	[tilespmem:s16+$0xE440] =	vst v0;
	v0 =	vmul.f32 $8.000000000e+00, v3  }
0xc5: {  	s7 =	sadd.s32 s3, s7;
	[tilespmem:s16+$0xE450] =	vst v1;
	v1 =	vmul.f32 $8.000000000e+00, v6  }
0xc6: {  	s7 =	sshrl.u32 s7, $0x3;
	[tilespmem:s16+$0xE460] =	vst v0  }
0xc7: {  	p0 =	seq.s32 s11, $0x18;
	s7 =	sadd.s32 s5, s7;
	[tilespmem:s16+$0xE470] =	vst v1  }
0xc8: {  	[hbm4b:s7+s20] =	stream.strided.scatter [tilespmem:s21], [sflag:$0xD], $0x2000, s12, s20, $0x38;
	[tilespmem:$0x16400] =	vst v63  }
0xc9: {  	s7 =	sshll.u32 @!p0 s11, $0xA;
	_ =	swait.ge [sflag:s30], $0x2000  }
0xca: {  	s8 =	simm.s32 @!p0 $0x80;
	s14 =	sand.u32 @!p0 $0x3FFFFC00, s7;
	[sflag:s30] =	ssyncset.done $0x0  }
0xcb: {  	s9 =	simm.s32 @!p0 $0x6400;
	s7 =	sadd.s32 @!p0 $0x400, s14;
	[sflag:s30] =	ssyncadd.s32 $0xFFFFE000  }
0xcc: {  	[tilespmem:s9], [sflag:$0x1] =	stream.indirect.gather @!p0 [hbm4b:s4+s8], $0x40, s7, s8, $0xb8;
	[tilespmem:$0x16400] =	vst v63  }
0xcd: {  	_ =	swait.ge [sflag:s31], $0x2000  }
0xce: {  	[sflag:s31] =	ssyncset.done $0x0  }
0xcf: {  	s16 =	simm.s32 $0x0;
	[sflag:s31] =	ssyncadd.s32 $0xFFFFE000  }
0xd0: {  	v3 =	vld [tilespmem:s16+$0x10400]  }
0xd1: {  	v5 =	vld [tilespmem:s16+$0x10410]  }
0xd2: {  	v4 =	vld [tilespmem:s16+$0x10420]  }
0xd3: {  	v2 =	vld [tilespmem:s16+$0x10430]  }
0xd4: {  	v0 =	vld [tilespmem:s16+$0x10440]  }
0xd5: {  	v1 =	vld [tilespmem:s16+$0x10450];
	v6 =	vmul.f32 $8.000000000e+00, v3  }
0xd6: {  	s7 =	simm.s32 $0x200;
	v5 =	vmul.f32 $8.000000000e+00, v5;
	v3 =	vld [tilespmem:s16+$0x10460]  }
.LBB2_13:
0xd7: {  	s8 =	sshra.s32 s7, $0x2;
	p1 =	sne.s32 s7, $0x7E00;
	[tilespmem:s16+$0x10400] =	vst v6;
	v4 =	vmul.f32 $8.000000000e+00, v4;
	v6 =	vld [tilespmem:s16+$0x10470]  }
0xd8: {  	v7 =	vld [tilespmem:s8+$0x10400];
	[tilespmem:s16+$0x10410] =	vst v5;
	v2 =	vmul.f32 $8.000000000e+00, v2  }
0xd9: {  	v5 =	vld [tilespmem:s8+$0x10410];
	[tilespmem:s16+$0x10420] =	vst v4;
	v0 =	vmul.f32 $8.000000000e+00, v0  }
.Ltmp7:
0xda: {  	v4 =	vld [tilespmem:s8+$0x10420];
	[tilespmem:s16+$0x10430] =	vst v2;
	v1 =	vmul.f32 $8.000000000e+00, v1;
	(pc) =	sbr.rel @p1 .LBB2_13-.Ltmp7, $4  }
0xdb: {  	v2 =	vld [tilespmem:s8+$0x10430];
	[tilespmem:s16+$0x10440] =	vst v0;
	v3 =	vmul.f32 $8.000000000e+00, v3  }
0xdc: {  	v0 =	vld [tilespmem:s8+$0x10440];
	[tilespmem:s16+$0x10450] =	vst v1;
	v8 =	vmul.f32 $8.000000000e+00, v6  }
0xdd: {  	v6 =	vmul.f32 $8.000000000e+00, v7;
	v1 =	vld [tilespmem:s8+$0x10450];
	[tilespmem:s16+$0x10460] =	vst v3  }
0xde: {  	s7 =	sadd.s32 $0x200, s7;
	v5 =	vmul.f32 $8.000000000e+00, v5;
	v3 =	vld [tilespmem:s8+$0x10460];
	[tilespmem:s16+$0x10470] =	vst v8;
	s16 =	smov.u32 s8  }
0xdf: {  	[tilespmem:s16+$0x10400] =	vst v6;
	v4 =	vmul.f32 $8.000000000e+00, v4;
	v6 =	vld [tilespmem:s16+$0x10470]  }
0xe0: {  	[tilespmem:s16+$0x10410] =	vst v5;
	v2 =	vmul.f32 $8.000000000e+00, v2  }
0xe1: {  	[tilespmem:s16+$0x10420] =	vst v4;
	v0 =	vmul.f32 $8.000000000e+00, v0  }
0xe2: {  	[tilespmem:s16+$0x10430] =	vst v2;
	v1 =	vmul.f32 $8.000000000e+00, v1  }
0xe3: {  	s6 =	sshll.u32 s6, $0xE;
	[tilespmem:s16+$0x10440] =	vst v0;
	v0 =	vmul.f32 $8.000000000e+00, v3  }
0xe4: {  	s6 =	sadd.s32 s3, s6;
	[tilespmem:s16+$0x10450] =	vst v1;
	v1 =	vmul.f32 $8.000000000e+00, v6  }
0xe5: {  	s6 =	sshrl.u32 s6, $0x3;
	[tilespmem:s16+$0x10460] =	vst v0  }
0xe6: {  	s6 =	sadd.s32 s5, s6;
	[tilespmem:s16+$0x10470] =	vst v1  }
0xe7: {  	[hbm4b:s6+s20] =	stream.strided.scatter [tilespmem:s23], [sflag:$0xE], $0x2000, s12, s20, $0x38;
	[tilespmem:$0x16400] =	vst v63  }
0xe8: {  	_ =	swait.ge [sflag:s1], $0x2000  }
0xe9: {  	s7 =	simm.s32 @!p0 $0x80;
	[sflag:s1] =	ssyncset.done $0x0  }
0xea: {  	s8 =	simm.s32 @!p0 $0x8400;
	s6 =	sadd.s32 @!p0 $0x480, s14;
	[sflag:s1] =	ssyncadd.s32 $0xFFFFE000  }
0xeb: {  	[tilespmem:s8], [sflag:$0x2] =	stream.indirect.gather @!p0 [hbm4b:s4+s7], $0x40, s6, s7, $0xb8;
	[tilespmem:$0x16400] =	vst v63  }
0xec: {  	_ =	swait.ge [sflag:s0], $0x2000  }
0xed: {  	[sflag:s0] =	ssyncset.done $0x0  }
0xee: {  	s6 =	simm.s32 $0x0;
	[sflag:s0] =	ssyncadd.s32 $0xFFFFE000  }
0xef: {  	v3 =	vld [tilespmem:s6+$0x12400]  }
0xf0: {  	v5 =	vld [tilespmem:s6+$0x12410]  }
0xf1: {  	v4 =	vld [tilespmem:s6+$0x12420]  }
0xf2: {  	v2 =	vld [tilespmem:s6+$0x12430]  }
0xf3: {  	v0 =	vld [tilespmem:s6+$0x12440]  }
0xf4: {  	v1 =	vld [tilespmem:s6+$0x12450];
	v6 =	vmul.f32 $8.000000000e+00, v3  }
0xf5: {  	s7 =	simm.s32 $0x200;
	v5 =	vmul.f32 $8.000000000e+00, v5;
	v3 =	vld [tilespmem:s6+$0x12460]  }
.LBB2_15:
0xf6: {  	s8 =	sshra.s32 s7, $0x2;
	p1 =	sne.s32 s7, $0x7E00;
	[tilespmem:s6+$0x12400] =	vst v6;
	v4 =	vmul.f32 $8.000000000e+00, v4;
	v6 =	vld [tilespmem:s6+$0x12470]  }
0xf7: {  	v7 =	vld [tilespmem:s8+$0x12400];
	[tilespmem:s6+$0x12410] =	vst v5;
	v2 =	vmul.f32 $8.000000000e+00, v2  }
0xf8: {  	v5 =	vld [tilespmem:s8+$0x12410];
	[tilespmem:s6+$0x12420] =	vst v4;
	v0 =	vmul.f32 $8.000000000e+00, v0  }
.Ltmp8:
0xf9: {  	v4 =	vld [tilespmem:s8+$0x12420];
	[tilespmem:s6+$0x12430] =	vst v2;
	v1 =	vmul.f32 $8.000000000e+00, v1;
	(pc) =	sbr.rel @p1 .LBB2_15-.Ltmp8, $4  }
0xfa: {  	v2 =	vld [tilespmem:s8+$0x12430];
	[tilespmem:s6+$0x12440] =	vst v0;
	v3 =	vmul.f32 $8.000000000e+00, v3  }
0xfb: {  	v0 =	vld [tilespmem:s8+$0x12440];
	[tilespmem:s6+$0x12450] =	vst v1;
	v8 =	vmul.f32 $8.000000000e+00, v6  }
0xfc: {  	v6 =	vmul.f32 $8.000000000e+00, v7;
	v1 =	vld [tilespmem:s8+$0x12450];
	[tilespmem:s6+$0x12460] =	vst v3  }
0xfd: {  	s7 =	sadd.s32 $0x200, s7;
	v5 =	vmul.f32 $8.000000000e+00, v5;
	v3 =	vld [tilespmem:s8+$0x12460];
	[tilespmem:s6+$0x12470] =	vst v8;
	s6 =	smov.u32 s8  }
0xfe: {  	[tilespmem:s6+$0x12400] =	vst v6;
	v4 =	vmul.f32 $8.000000000e+00, v4;
	v6 =	vld [tilespmem:s6+$0x12470]  }
0xff: {  	[tilespmem:s6+$0x12410] =	vst v5;
	v2 =	vmul.f32 $8.000000000e+00, v2  }
0x100: {  	[tilespmem:s6+$0x12420] =	vst v4;
	v0 =	vmul.f32 $8.000000000e+00, v0  }
0x101: {  	[tilespmem:s6+$0x12430] =	vst v2;
	v1 =	vmul.f32 $8.000000000e+00, v1  }
0x102: {  	s7 =	sshll.u32 s10, $0xE;
	[tilespmem:s6+$0x12440] =	vst v0;
	v0 =	vmul.f32 $8.000000000e+00, v3  }
0x103: {  	s7 =	sadd.s32 s3, s7;
	[tilespmem:s6+$0x12450] =	vst v1;
	v1 =	vmul.f32 $8.000000000e+00, v6  }
0x104: {  	s7 =	sshrl.u32 s7, $0x3;
	[tilespmem:s6+$0x12460] =	vst v0  }
0x105: {  	s16 =	sadd.s32 s5, s7;
	[tilespmem:s6+$0x12470] =	vst v1  }
0x106: {  	[hbm4b:s16+s20] =	stream.strided.scatter [tilespmem:s25], [sflag:$0xF], $0x2000, s12, s20, $0x38;
	[tilespmem:$0x16400] =	vst v63  }
0x107: {  	_ =	swait.ge [sflag:s15], $0x2000  }
0x108: {  	s8 =	simm.s32 @!p0 $0xA400;
	[sflag:s15] =	ssyncset.done $0x0  }
0x109: {  	s7 =	simm.s32 @!p0 $0x80;
	s6 =	sadd.s32 @!p0 $0x500, s14;
	[sflag:s15] =	ssyncadd.s32 $0xFFFFE000  }
0x10a: {  	[tilespmem:s8], [sflag:$0x3] =	stream.indirect.gather @!p0 [hbm4b:s4+s7], $0x40, s6, s7, $0xb8;
	[tilespmem:$0x16400] =	vst v63  }
0x10b: {  	_ =	swait.ge [sflag:s17], $0x2000  }
0x10c: {  	[sflag:s17] =	ssyncset.done $0x0  }
0x10d: {  	s6 =	simm.s32 $0x0;
	[sflag:s17] =	ssyncadd.s32 $0xFFFFE000  }
0x10e: {  	v3 =	vld [tilespmem:s6+$0x14400]  }
0x10f: {  	v5 =	vld [tilespmem:s6+$0x14410]  }
0x110: {  	v4 =	vld [tilespmem:s6+$0x14420]  }
0x111: {  	v2 =	vld [tilespmem:s6+$0x14430]  }
0x112: {  	v0 =	vld [tilespmem:s6+$0x14440]  }
0x113: {  	v1 =	vld [tilespmem:s6+$0x14450];
	v6 =	vmul.f32 $8.000000000e+00, v3  }
0x114: {  	s7 =	simm.s32 $0x200;
	v5 =	vmul.f32 $8.000000000e+00, v5;
	v3 =	vld [tilespmem:s6+$0x14460]  }
.LBB2_17:
0x115: {  	s8 =	sshra.s32 s7, $0x2;
	p1 =	sne.s32 s7, $0x7E00;
	[tilespmem:s6+$0x14400] =	vst v6;
	v4 =	vmul.f32 $8.000000000e+00, v4;
	v6 =	vld [tilespmem:s6+$0x14470]  }
0x116: {  	v7 =	vld [tilespmem:s8+$0x14400];
	[tilespmem:s6+$0x14410] =	vst v5;
	v2 =	vmul.f32 $8.000000000e+00, v2  }
0x117: {  	v5 =	vld [tilespmem:s8+$0x14410];
	[tilespmem:s6+$0x14420] =	vst v4;
	v0 =	vmul.f32 $8.000000000e+00, v0  }
.Ltmp9:
0x118: {  	v4 =	vld [tilespmem:s8+$0x14420];
	[tilespmem:s6+$0x14430] =	vst v2;
	v1 =	vmul.f32 $8.000000000e+00, v1;
	(pc) =	sbr.rel @p1 .LBB2_17-.Ltmp9, $4  }
0x119: {  	v2 =	vld [tilespmem:s8+$0x14430];
	[tilespmem:s6+$0x14440] =	vst v0;
	v3 =	vmul.f32 $8.000000000e+00, v3  }
0x11a: {  	v0 =	vld [tilespmem:s8+$0x14440];
	[tilespmem:s6+$0x14450] =	vst v1;
	v8 =	vmul.f32 $8.000000000e+00, v6  }
0x11b: {  	v6 =	vmul.f32 $8.000000000e+00, v7;
	v1 =	vld [tilespmem:s8+$0x14450];
	[tilespmem:s6+$0x14460] =	vst v3  }
0x11c: {  	s7 =	sadd.s32 $0x200, s7;
	v5 =	vmul.f32 $8.000000000e+00, v5;
	v3 =	vld [tilespmem:s8+$0x14460];
	[tilespmem:s6+$0x14470] =	vst v8;
	s6 =	smov.u32 s8  }
0x11d: {  	[tilespmem:s6+$0x14400] =	vst v6;
	v4 =	vmul.f32 $8.000000000e+00, v4;
	v61 =	vld [tilespmem:s6+$0x14470]  }
0x11e: {  	[tilespmem:s6+$0x14410] =	vst v5;
	v2 =	vmul.f32 $8.000000000e+00, v2  }
0x11f: {  	[tilespmem:s6+$0x14420] =	vst v4;
	v0 =	vmul.f32 $8.000000000e+00, v0  }
0x120: {  	[tilespmem:s6+$0x14430] =	vst v2;
	v1 =	vmul.f32 $8.000000000e+00, v1  }
0x121: {  	s7 =	sshll.u32 s13, $0xE;
	[tilespmem:s6+$0x14440] =	vst v0;
	v62 =	vmul.f32 $8.000000000e+00, v3  }
0x122: {  	s7 =	sadd.s32 s3, s7;
	[tilespmem:s6+$0x14450] =	vst v1;
	v63 =	vmul.f32 $8.000000000e+00, v61  }
0x123: {  	s7 =	sshrl.u32 s7, $0x3;
	[tilespmem:s6+$0x14460] =	vst v62  }
.Ltmp10:
0x124: {  	s16 =	sadd.s32 s5, s7;
	[tilespmem:s6+$0x14470] =	vst v63;
	(pc) =	sbr.rel @p0 .LBB2_20-.Ltmp10, $4  }
0x125: {  	[hbm4b:s16+s20] =	stream.strided.scatter [tilespmem:s28], [sflag:$0x10], $0x2000, s12, s20, $0x38;
	[tilespmem:$0x16400] =	vst v63  }
0x126: {  	_ =	swait.ge [sflag:s2], $0x2000  }
0x127: {  	[sflag:s2] =	ssyncset.done $0x0  }
0x128: {  	[sflag:s2] =	ssyncadd.s32 $0xFFFFE000  }
.Ltmp11:
0x129: {  	(pc) =	sbr.rel .LBB2_2-.Ltmp11, $4  }
0x12a: {  	s6 =	sshll.u32 s11, $0xA  }
0x12b: {  	s6 =	sand.u32 $0x3FFFFC00, s6  }
0x12c: {  	s11 =	sadd.s32 $0x1, s11;
	s6 =	sadd.s32 $0x580, s6  }
0x12d: {  	[tilespmem:s18], [sflag:$0x4] =	stream.indirect.gather [hbm4b:s4+s12], $0x40, s6, s12, $0xb8;
	[tilespmem:$0x16400] =	vst v63  }
.LBB2_21:
0x12e: {  	_ =	sfence.sel $0x180000  }
0x12f: {  	[bflag:$0x0] =	sbarrier.arrive $0xFFFF  }
0x130: {  	_ =	strace $0x90000047  }
0x131: {  	s0 =	stileid.u32;
	[bflag:$0x2] =	sbarrier.arrive $0xFFFF  }
0x132: {  	p0 =	sne.s32 s0, $0x0;
	s0 =	rddreg [dreg:$0x2]  }
0x133: {  	s0 =	sadd.s32 @!p0 $0x100000, s0  }
0x134: {  	[sflag:s0] =	ssyncadd.tile.s32 @!p0 $0x1;
	_ =	shalt  }
.Lfunc_end2:
_tile_overlayer_lowered:
.L_overlay_start_2:
0x135: {  	(tag) =	ssettag $0x2  }
0x136: {  	s0 =	rddreg [dreg:$0x0];
	s2 =	stileid.u32  }
0x137: {  	s1 =	rddreg [dreg:$0x1];
	p0 =	sne.s32 s2, $0x0  }
0x138: {  	s3 =	rddreg [dreg:$0x2];
	[bflag:$0x3] =	sbarrier.arrive $0xFFFF;
	s2 =	simm.s32 @!p0 $0x1C11  }
0x139: {  	[timem:s3], [sflag:s2] =	dma.local @!p0 [hbm:s0], s1  }
0x13a: {  	s0 =	simm.s32 @!p0 $0x11  }
0x13b: {  	_ =	swait.ge @!p0 [sflag:s0], s1  }
0x13c: {  	s1 =	ssub.s32 @!p0 $0x0, s1;
	[sflag:s0] =	ssyncset.done @!p0 $0x0  }
0x13d: {  	[sflag:s0] =	ssyncadd.s32 @!p0 s1  }
0x13e: {  	[bflag:$0x3] =	sbarrier.arrive $0xFFFF  }
0x13f: {  	_ =	shalt  }

// kernel: sparse-core-data-format-call.cloned.1.call-start
scs
called_computation_lowered:
.L_overlay_start_0:
0x0: {  	s2 =	sld [smem:$0x3FD9]  }
0x1: {  	s3 =	sld [smem:$0x3FFE];
	_ =	sdelay $0x1  }
0x2: {  	s1 =	srdreg.scid  }
0x3: {  	s0 =	sand.u32 $0x1, s1  }
0x4: {  	s18 =	sshll.u32 s0, $0xA;
	s2 =	sadd.s32 s3, s2  }
0x5: {  	s2 =	sadd.s32 s2, s18  }
0x6: {  	[smem:$0x3FC6] =	sst s2  }
0x7: {  	_ = 	snop  }
0x8: {  	s2 =	sld [smem:$0x3FD0];
	(tm) =	ssettm $0x1  }
0x9: {  	s19 =	sld [smem:$0x3FFB];
	_ =	sdelay $0x3  }
0xa: {  	_ =	strace s19  }
0xb: {  	s3 =	sld [smem:$0x3FFC];
	_ =	sdelay $0x3  }
0xc: {  	_ =	strace s3  }
0xd: {  	s3 =	sld [smem:$0x3FFD];
	_ =	sdelay $0x3  }
0xe: {  	_ =	strace s3  }
0xf: {  	_ =	strace $0x8FFFFFFF  }
0x10: {  	s20 =	sld [smem:$0x3FDB];
	_ =	sdelay $0x1  }
0x11: {  	s4 =	simm.s32 $_scs_section_size  }
0x12: {  	s5 =	simm.s32 $_size__tile_overlayer_lowered;
	s6 =	simm.s32 $_tile_overlayer_lowered  }
0x13: {  	s23 =	simm.s32 $0x1BFF;
	s22 =	sshll.u32 s6, $0x1;
	s3 =	sadd.s32 s4, s20  }
0x14: {  	s7 =	simm.s32 $0x0;
	s21 =	sshll.u32 s5, $0x1;
	s5 =	sadd.s32 s22, s3  }
0x15: {  	[timem:s7], [sflag:s23] =	dma.local [hbm:s5], s21  }
0x16: {  	_ =	swait.ge [sflag:s23], s21  }
0x17: {  	s4 =	ssub.s32 $0x0, s21;
	[sflag:s23] =	ssyncset.done $0x0  }
0x18: {  	[sflag:s23] =	ssyncadd.s32 s4;
	_ =	sdelay $0x1  }
0x19: {  	s24 =	simm.s32 $0x1B8B  }
0x1a: {  	_ =	swait.ge [sflag:s24], $0x1  }
0x1b: {  	[sflag:s24] =	ssyncset.done $0x0  }
0x1c: {  	s26 =	simm.s32 $0x1B8E;
	s25 =	sld [smem:$0x3FFE];
	[sflag:s24] =	ssyncadd.s32 $0xFFFFFFFF  }
0x1d: {  	s27 =	simm.s32 $execute0_lowered;
	[smem:$0x3FD2] =	sst s26  }
0x1e: {  	s5 =	sshll.u32 s27, $0x1;
	_ =	strace $0x80000049;
	[dreg:$0x1] =	wrdreg $0xFFFFFFFF  }
0x1f: {  	s28 =	simm.s32 $_size_execute0_lowered;
	s3 =	sadd.s32 s3, s5;
	[dreg:$0x0] =	wrdreg $0x0  }
0x20: {  	s5 =	sshll.u32 s28, $0x1;
	[dreg:$0x2] =	wrdreg s3  }
0x21: {  	[dreg:$0x3] =	wrdreg s5  }
0x22: {  	[dreg:$0x4] =	wrdreg $0xC0  }
0x23: {  	_ =	task [dreg:s7], $0x5FFFF  }
0x24: {  	[dreg:$0x1] =	wrdreg $0xFFFFFFFF  }
0x25: {  	[dreg:$0x0] =	wrdreg $0x60  }
0x26: {  	[dreg:$0x2] =	wrdreg s25  }
0x27: {  	[dreg:$0x3] =	wrdreg s2  }
0x28: {  	[dreg:$0x4] =	wrdreg $0x9  }
0x29: {  	_ =	task.clear_ibuf [dreg:s7], $0x5FFFF;
	_ =	strace $0x90000049  }
0x2a: {  	s29 =	simm.s32 $0x9;
	_ =	strace $0x8000004B  }
0x2b: {  	_ =	swait.ge [sflag:s29], $0x1  }
0x2c: {  	[sflag:s29] =	ssyncadd.s32 $0xFFFFFFFF  }
0x2d: {  	_ =	strace $0x9000004B  }
0x2e: {  	_ =	sfence  }
0x2f: {  	s30 =	sld [smem:$0x0];
	_ =	sdelay $0x2  }
0x30: {  	s31 =	sshll.u32 s1, $0xD;
	s1 =	sshrl.u32 s1, $0x2  }
0x31: {  	s3 =	sand.u32 $0x4000, s31;
	s1 =	sadd.s32 s1, s30  }
0x32: {  	s0 =	sor.u32 s3, s0;
	s1 =	sshll.u32 s1, $0x11  }
0x33: {  	s0 =	sor.u32 s1, s0  }
0x34: {  	s0 =	sadd.s32 $0x8F2B, s0  }
0x35: {  	[sflag:s0] =	ssyncadd.remote.s32 $0x1  }
0x36: {  	_ =	sfence.sel $0xFFFF  }
0x37: {  	[dreg:$0x0] =	wrdreg $0xFFFFFFFF;
	(pc) =	sbr.abs _section_cstart, $3  }
0x38: {  	[dreg:$0x1] =	wrdreg $0xFFFFFFFF  }
0x39: {  	_ =	task.clear_ibuf [dreg:s7], $0x2FFFF;
	_ =	strace $0x9FFFFFFF  }
0x3a: {  	(tm) =	ssettm $0x7FFFFFFF  }
0x3b: {  	_ =	shalt  }
tec
execute0_lowered:
.L_overlay_start_1:
0x0: {  	(tag) =	ssettag $0x1  }
0x1: {  	s0 =	srdreg.scid  }
0x2: {  	s1 =	sshll.u32 s0, $0x4  }
0x3: {  	s0 =	stileid.u32;
	s1 =	sand.u32 $0x10, s1  }
0x4: {  	s1 =	sor.u32 s0, s1  }
0x5: {  	s6 =	rddreg [dreg:$0x0];
	s4 =	simm.s32 $0x1;
	s2 =	sshll.u32 s1, $0x7  }
0x6: {  	s7 =	simm.s32 $0x2;
	s12 =	simm.s32 $0x0;
	s1 =	ssub.s32 $0x1000, s2  }
0x7: {  	s8 =	simm.s32 $0x8000;
	s13 =	simm.s32 $0x0;
	s3 =	sand.u32 $0xF80, s1  }
0x8: {  	s9 =	simm.s32 $0x0;
	s5 =	sshrl.u32 s1, $0xC;
	p0 =	sne.s32 s3, $0x0  }
.Ltmp0:
0x9: {  	s1 =	rddreg [dreg:$0x2];
	s4 =	simm.s32 @!p0 $0x0;
	(pc) =	sbr.rel .LBB1_1-.Ltmp0, $4  }
0xa: {  	s11 =	simm.s32 $0x0;
	s3 =	rddreg [dreg:$0x1];
	s5 =	sadd.s32 s4, s5  }
0xb: {  	_ =	strace $0x8000004A;
	s4 =	simm.s32 $0x1;
	s5 =	smul.u32 $0xC8, s5  }
0xc: {  	s6 =	sadd.s32 $0xA00, s6;
	s10 =	smov.u32 s2;
	[sflag:s4] =	ssyncpa.u1 $0x0  }
0xd: {  	p0 =	por $0x0, $0x0;
	[sflag:s7] =	ssyncpa.u1 $0x0;
	s7 =	sor.u32 $0x1, s5  }
.LBB1_4:
0xe: {  	s16 =	sshll.u32 s13, $0x3;
	s17 =	sand.u32 $0x78, s13  }
0xf: {  	s30 =	sand.u32 $0x7E00, s13;
	s12 =	sshll.u32 s12, $0xF;
	s16 =	sand.u32 $0xC00, s16  }
0x10: {  	[tilespmem:s15+$0x810 ss:$0x81] =	vst.msk $0xffff, v2;
	s31 =	sand.u32 $0x7, s13;
	s16 =	sor.u32 s17, s16;
	s17 =	sadd.s32 s3, s30  }
0x11: {  	[tilespmem:s15+$0x1020 ss:$0x81] =	vst.msk $0xffff, v0;
	s13 =	sshll.u32 s31, $0x12;
	s12 =	sadd.s32 s12, s17;
	s16 =	sshrl.u32 s16, $0x3  }
0x12: {  	[tilespmem:s15+$0x0 ss:$0x81] =	vst.msk $0xffff, v1;
	s13 =	sor.u32 $0x400, s13;
	s12 =	sadd.s32 s16, s12  }
0x13: {  	[hbm4b:s12+s13] =	stream.strided.scatter [tilespmem:s14], [sflag:$0x2], $0x2000, s8, s13, $0x20;
	[tilespmem:$0x8080] =	vst v63  }
.LBB1_5:
0x14: {  	s14 =	sadd.s32 $0x1, s9  }
0x15: {  	s12 =	sadd.s32 $0x1000, s10;
	s16 =	smov.u32 s10;
	p2 =	sgt.s32 s14, $0xC7  }
0x16: {  	s16 =	smov.u32 @p2 s12  }
0x17: {  	s14 =	simm.s32 @p2 $0x0;
	p2 =	sgt.s32 s16, $0xFFF  }
0x18: {  	s16 =	smov.u32 @p2 s2;
	p2 =	sne.s32 s11, s7  }
.Ltmp1:
0x19: {  	p1 =	slt.u32 s11, $0x2;
	(pc) =	sbr.rel @!p2 .LBB1_6-.Ltmp1, $4  }
0x1a: {  	s15 =	simm.s32 @!p1 $0x2  }
0x1b: {  	s13 =	smov.u32 s10;
	p0 =	por !p0, !p0;
	_ =	swait.ge @!p1 [sflag:s15], $0x2000  }
0x1c: {  	s12 =	smov.u32 s9;
	[sflag:s15] =	ssyncset.done @!p1 $0x0;
	s9 =	smov.u32 s14  }
0x1d: {  	s11 =	sadd.s32 $0x1, s11;
	[sflag:s15] =	ssyncadd.s32 @!p1 $0xFFFFE000;
	s10 =	smov.u32 s16  }
.LBB1_1:
0x1e: {  	p1 =	sge.u32 s11, s5  }
0x1f: {  	s14 =	sand.u32 @!p1 $0x1FFFFFF, s9  }
0x20: {  	s15 =	smulhi.u32 @!p1 $0x147AE15, s14;
	_ =	sdelay $0x1  }
0x21: {  	s15 =	smul.u32 @!p1 $0xC8, s15  }
0x22: {  	s16 =	sxor.u32 @!p1 $0xFFFFFFFF, s11;
	s17 =	smul.u32 @!p1 $0xC80, s10  }
0x23: {  	s31 =	sadd.s32 $0xFFFFFFFF, s11;
	s16 =	sshll.u32 @!p1 s16, $0xD;
	s14 =	ssub.s32 @!p1 s14, s15  }
0x24: {  	s15 =	sand.u32 @!p1 $0x2000, s16;
	s16 =	sadd.s32 @!p1 s6, s17;
	s14 =	sshll.u32 @!p1 s14, $0x4  }
0x25: {  	s17 =	simm.s32 @!p1 $0x6400;
	s14 =	sadd.s32 @!p1 s14, s16;
	s16 =	simm.s32 @!p1 $0x40  }
0x26: {  	[tilespmem:s15], [sflag:$0x1] =	stream.strided.gather @!p1 [hbm4b:s14+s16], $0x2000, s17, s16, $0x38;
	[tilespmem:$0x8080] =	vst v63  }
0x27: {  	p1 =	sge.u32 s31, s5  }
.Ltmp2:
0x28: {  	_ = 	snop;
	(pc) =	sbr.rel @p1 .LBB1_5-.Ltmp2, $1  }
0x29: {  	_ =	sdelay $0x3  }
0x2a: {  	s14 =	simm.s32 $0x1  }
0x2b: {  	_ =	swait.ge [sflag:s4], $0x2000;
	s14 =	simm.s32 @!p0 $0x0  }
0x2c: {  	[sflag:s4] =	ssyncset.done $0x0;
	s15 =	sshll.u32 s14, $0xD  }
0x2d: {  	[sflag:s4] =	ssyncadd.s32 $0xFFFFE000;
	s18 =	sor.u32 $0x20, s15  }
0x2e: {  	s14 =	smul.u32 $0x8100, s14;
	v3 =	vld [tilespmem:s18+$0x10]  }
0x2f: {  	s30 =	sand.u32 $0x1, s11;
	v2 =	vld [tilespmem:s18+$0xFFFFFFF0]  }
0x30: {  	s15 =	smul.u32 $0x8100, s30;
	s14 =	sshrl.u32 s14, $0x2;
	v0 =	vld [tilespmem:s18+$0x0]  }
0x31: {  	v1 =	vld [tilespmem:s18+$0xFFFFFFE0];
	s16 =	sor.u32 $0x4000, s14  }
0x32: {  	s31 =	sshrl.u32 s15, $0x2;
	s15 =	sadd.s32 $0x0, s16  }
0x33: {  	s17 =	simm.s32 $0x4;
	s18 =	sadd.s32 $0x40, s18;
	s14 =	sor.u32 $0x4000, s31;
	[tilespmem:s15+$0x1830 ss:$0x81] =	vst.msk $0xffff, v3  }
.LBB1_3:
0x34: {  	v3 =	vld [tilespmem:s18+$0x10];
	p1 =	sne.s32 s17, $0x1FC;
	[tilespmem:s15+$0x810 ss:$0x81] =	vst.msk $0xffff, v2;
	s19 =	smov.u32 s17;
	s17 =	sadd.s32 $0x4, s17  }
.Ltmp3:
0x35: {  	v2 =	vld [tilespmem:s18+$0xFFFFFFF0];
	[tilespmem:s15+$0x1020 ss:$0x81] =	vst.msk $0xffff, v0;
	(pc) =	sbr.rel @p1 .LBB1_3-.Ltmp3, $4  }
0x36: {  	v0 =	vld [tilespmem:s18+$0x0];
	[tilespmem:s15+$0x0 ss:$0x81] =	vst.msk $0xffff, v1  }
0x37: {  	s15 =	sshra.s32 s19, $0x2;
	v1 =	vld [tilespmem:s18+$0xFFFFFFE0]  }
0x38: {  	s15 =	sadd.s32 s15, s16  }
0x39: {  	s18 =	sadd.s32 $0x40, s18;
	[tilespmem:s15+$0x1830 ss:$0x81] =	vst.msk $0xffff, v3  }
.Ltmp4:
0x3a: {  	_ = 	snop;
	(pc) =	sbr.rel .LBB1_4-.Ltmp4, $1  }
0x3b: {  	_ =	sdelay $0x3  }
.LBB1_6:
0x3c: {  	_ =	sfence.sel $0x180000  }
0x3d: {  	s2 =	simm.s32 $0x1;
	[bflag:$0x0] =	sbarrier.arrive $0xFFFF  }
0x3e: {  	s31 =	simm.s32 $0x2;
	[sflag:s2] =	ssyncpa.u1 $0x1  }
0x3f: {  	[sflag:s31] =	ssyncpa.u1 $0x1  }
0x40: {  	p0 =	sne.s32 s0, $0x0;
	_ =	strace $0x9000004A  }
0x41: {  	s0 =	sadd.s32 @!p0 $0x100000, s1;
	[bflag:$0x2] =	sbarrier.arrive $0xFFFF  }
0x42: {  	[sflag:s0] =	ssyncadd.tile.s32 @!p0 $0x1;
	_ =	shalt  }
.Lfunc_end1:
_tile_overlayer_lowered:
.L_overlay_start_2:
0x43: {  	(tag) =	ssettag $0x2  }
0x44: {  	s0 =	rddreg [dreg:$0x0];
	s2 =	stileid.u32  }
0x45: {  	s1 =	rddreg [dreg:$0x1];
	p0 =	sne.s32 s2, $0x0  }
0x46: {  	s3 =	rddreg [dreg:$0x2];
	[bflag:$0x3] =	sbarrier.arrive $0xFFFF;
	s2 =	simm.s32 @!p0 $0x1C01  }
0x47: {  	[timem:s3], [sflag:s2] =	dma.local @!p0 [hbm:s0], s1  }
0x48: {  	s0 =	simm.s32 @!p0 $0x1  }
0x49: {  	_ =	swait.ge @!p0 [sflag:s0], s1  }
0x4a: {  	s1 =	ssub.s32 @!p0 $0x0, s1;
	[sflag:s0] =	ssyncset.done @!p0 $0x0  }
0x4b: {  	[sflag:s0] =	ssyncadd.s32 @!p0 s1  }
0x4c: {  	[bflag:$0x3] =	sbarrier.arrive $0xFFFF  }
0x4d: {  	_ =	shalt  }

</sc_bundles>
